<compile_context>
chip_gen: v7x
topology: tpu7x:2x2x1
jax: 0.10.2.dev20260603
libtpu: 0.0.44.dev20260713+nightly
codegen_flags: <defaults>
</compile_context>

<pallas_src>
import functools

import jax
import jax.numpy as jnp
from jax import lax
from jax.experimental import pallas as pl
from jax.experimental.pallas import tpu as pltpu
from jax.experimental.pallas import tpu_sc as plsc

N = 2048
D = 768
F = 768
E = 64
TILE = 256

_NC = 2
_NS = 16
_NW = _NC * _NS
_ROWS_PER_WORKER = N // _NW


def _router_body(x_ref, wg_ref, bg_ref, dest_ref, s_ref, e_ref):
    f32 = jnp.float32
    logits = jnp.dot(x_ref[:], wg_ref[:], preferred_element_type=f32)
    logits = logits + bg_ref[:]
    m = jnp.max(logits, axis=1, keepdims=True)
    col = lax.broadcasted_iota(jnp.int32, (N, E), 1)
    idx = jnp.min(jnp.where(logits == m, col, jnp.int32(E)),
                  axis=1, keepdims=True)
    hf = (col == idx).astype(f32)

    _C = 256
    rc = lax.broadcasted_iota(jnp.int32, (_C, _C), 0)
    cc = lax.broadcasted_iota(jnp.int32, (_C, _C), 1)
    l256 = (cc < rc).astype(jnp.bfloat16)
    prefix = jnp.zeros((1, E), f32)
    rank_chunks = []
    for t in range(N // _C):
        ht = hf[t * _C:(t + 1) * _C]
        lh_t = jnp.dot(l256, ht.astype(jnp.bfloat16),
                       preferred_element_type=f32) + prefix
        rank_chunks.append(jnp.sum(lh_t * ht, axis=1, keepdims=True))
        prefix = prefix + jnp.sum(ht, axis=0, keepdims=True)
    rank = jnp.concatenate(rank_chunks, axis=0)

    counts_row = jnp.sum(hf, axis=0, keepdims=True)
    re_ = lax.broadcasted_iota(jnp.int32, (E, E), 0)
    ce_ = lax.broadcasted_iota(jnp.int32, (E, E), 1)
    counts_b = jnp.broadcast_to(counts_row, (E, E))
    starts_col = jnp.sum(jnp.where(ce_ < re_, counts_b, 0.0),
                         axis=1, keepdims=True)
    counts_col = jnp.sum(jnp.where(ce_ == re_, counts_b, 0.0),
                         axis=1, keepdims=True)
    cum_col = starts_col + counts_col
    starts_row = jnp.sum(jnp.where(ce_ == re_,
                                   jnp.broadcast_to(starts_col, (E, E)), 0.0),
                         axis=0, keepdims=True)

    dest = rank + jnp.sum(starts_row * hf, axis=1, keepdims=True)
    dest_ref[:] = dest.astype(jnp.int32)
    s_ref[:] = starts_col.astype(jnp.int32)
    e_ref[:] = cum_col.astype(jnp.int32)


def _route(x_flat, Wg, bg):
    i32 = jnp.int32
    dest, starts, ends = pl.pallas_call(
        _router_body,
        out_shape=(
            jax.ShapeDtypeStruct((N, 1), i32),
            jax.ShapeDtypeStruct((E, 1), i32),
            jax.ShapeDtypeStruct((E, 1), i32),
        ),
    )(x_flat, Wg, bg.reshape(1, E))
    return dest.reshape(-1), starts.reshape(-1), ends.reshape(-1)


def _scatter_rows(src, indices):
    mesh = plsc.VectorSubcoreMesh(core_axis_name="c", subcore_axis_name="s")

    @functools.partial(
        pl.kernel,
        out_type=jax.ShapeDtypeStruct((N, D), jnp.float32),
        mesh=mesh,
        scratch_types=[
            pltpu.VMEM((_ROWS_PER_WORKER,), jnp.int32),
            pltpu.VMEM((_ROWS_PER_WORKER, D), jnp.float32),
            pltpu.SemaphoreType.DMA,
        ],
    )
    def k(src_hbm, idx_hbm, out_hbm, idx_v, rows_v, sem):
        wid = lax.axis_index("s") * _NC + lax.axis_index("c")
        base = wid * _ROWS_PER_WORKER
        pltpu.sync_copy(idx_hbm.at[pl.ds(base, _ROWS_PER_WORKER)], idx_v)
        pltpu.sync_copy(src_hbm.at[pl.ds(base, _ROWS_PER_WORKER)], rows_v)
        pltpu.async_copy(rows_v, out_hbm.at[idx_v], sem).wait()

    return k(src, indices)


def _gather_rows(table, indices):
    mesh = plsc.VectorSubcoreMesh(core_axis_name="c", subcore_axis_name="s")

    @functools.partial(
        pl.kernel,
        out_type=jax.ShapeDtypeStruct((N, D), jnp.float32),
        mesh=mesh,
        scratch_types=[
            pltpu.VMEM((_ROWS_PER_WORKER,), jnp.int32),
            pltpu.VMEM((_ROWS_PER_WORKER, D), jnp.float32),
            pltpu.SemaphoreType.DMA,
        ],
    )
    def k(table_hbm, idx_hbm, out_hbm, idx_v, rows_v, sem):
        wid = lax.axis_index("s") * _NC + lax.axis_index("c")
        base = wid * _ROWS_PER_WORKER
        pltpu.sync_copy(idx_hbm.at[pl.ds(base, _ROWS_PER_WORKER)], idx_v)
        pltpu.async_copy(table_hbm.at[idx_v], rows_v, sem).wait()
        pltpu.sync_copy(rows_v, out_hbm.at[pl.ds(base, _ROWS_PER_WORKER)])

    return k(table, indices)


_NBUF = 3


def _ffn_body(s_ref, e_ref, x_ref, w1_hbm, b1_ref, w2_hbm, b2_ref, o_ref,
              w1_buf, w2_buf, sem1, sem2):
    ei = pl.program_id(0)

    def w1_copy(j, slot):
        return pltpu.make_async_copy(w1_hbm.at[j], w1_buf.at[slot],
                                     sem1.at[slot])

    def w2_copy(j, slot):
        return pltpu.make_async_copy(w2_hbm.at[j], w2_buf.at[slot],
                                     sem2.at[slot])

    @pl.when(ei == 0)
    def _():
        o_ref[:] = jnp.zeros_like(o_ref)
        for j in range(_NBUF - 1):
            w1_copy(j, j).start()
            w2_copy(j, j).start()

    nxt = ei + _NBUF - 1

    @pl.when(nxt < E)
    def _():
        nslot = lax.rem(nxt, _NBUF)
        w1_copy(nxt, nslot).start()
        w2_copy(nxt, nslot).start()

    slot = lax.rem(ei, _NBUF)
    w1_copy(ei, slot).wait()
    w2_copy(ei, slot).wait()

    start = s_ref[ei]
    end = e_ref[ei]
    astart = (start // 8) * 8
    nblk = (end - astart + TILE - 1) // TILE
    w1 = w1_buf[slot].astype(jnp.bfloat16)
    w2 = w2_buf[slot].astype(jnp.bfloat16)
    b1 = b1_ref[ei]
    b2 = b2_ref[ei]

    def body(k, carry):
        bstart = jnp.minimum(astart + k * TILE, N - TILE)
        xb = x_ref[pl.ds(bstart, TILE), :].astype(jnp.bfloat16)
        h = jnp.dot(xb, w1, preferred_element_type=jnp.float32) + b1
        h = 0.5 * h * (1.0 + lax.erf(h * 0.7071067811865476))
        y = jnp.dot(h.astype(jnp.bfloat16), w2,
                    preferred_element_type=jnp.float32) + b2
        row = bstart + lax.broadcasted_iota(jnp.int32, (TILE, 1), 0)
        mask = (row >= start) & (row < end)
        o_ref[pl.ds(bstart, TILE), :] = jnp.where(
            mask, y, o_ref[pl.ds(bstart, TILE), :])
        return carry

    lax.fori_loop(0, nblk, body, 0)


def _grouped_ffn(x_sorted, W1, b1, W2, b2, starts, ends):
    grid_spec = pltpu.PrefetchScalarGridSpec(
        num_scalar_prefetch=2,
        grid=(E,),
        in_specs=[
            pl.BlockSpec((N, D), lambda e, s, t: (0, 0)),
            pl.BlockSpec(memory_space=pl.ANY),
            pl.BlockSpec((E, 1, F), lambda e, s, t: (0, 0, 0)),
            pl.BlockSpec(memory_space=pl.ANY),
            pl.BlockSpec((E, 1, D), lambda e, s, t: (0, 0, 0)),
        ],
        out_specs=pl.BlockSpec((N, D), lambda e, s, t: (0, 0)),
        scratch_shapes=[
            pltpu.VMEM((_NBUF, D, F), jnp.float32),
            pltpu.VMEM((_NBUF, F, D), jnp.float32),
            pltpu.SemaphoreType.DMA((_NBUF,)),
            pltpu.SemaphoreType.DMA((_NBUF,)),
        ],
    )
    return pl.pallas_call(
        _ffn_body,
        grid_spec=grid_spec,
        out_shape=jax.ShapeDtypeStruct((N, D), jnp.float32),
        compiler_params=pltpu.CompilerParams(
            dimension_semantics=("arbitrary",),
        ),
    )(starts, ends, x_sorted,
      W1, b1.reshape(E, 1, F), W2, b2.reshape(E, 1, D))


def kernel(x, Wg, bg, W1, b1, W2, b2):
    B, T, _ = x.shape
    x_flat = x.reshape(N, D)
    dest, starts, ends = _route(x_flat, Wg, bg)
    x_sorted = _scatter_rows(x_flat, dest)
    out_sorted = _grouped_ffn(x_sorted, W1, b1, W2, b2, starts, ends)
    out = _gather_rows(out_sorted, dest)
    return out.reshape(B, T, D)

# --- scband reference (transcript-rebuilt; emitter-appended) ---
"""Pipeline reference for scband-mo-e-7851200217347 (READ-ONLY COPY).

The authoritative reference and input builder live on the scoring server;
editing this copy changes nothing except your own understanding.
"""

import jax, jax.numpy as jnp
import numpy as np

E = 64
TOP_K = 1
D_MODEL = 768
D_FF = 768


def setup_inputs(seed: int = 0) -> dict:
    key = jax.random.key(seed)
    ks = jax.random.split(key, 8)
    B, T = 1, 2048
    x = jax.random.normal(ks[0], (B, T, D_MODEL), dtype=jnp.float32)
    Wg = jax.random.normal(ks[1], (D_MODEL, E), dtype=jnp.float32) * 0.02
    bg = jnp.zeros((E,), dtype=jnp.float32)
    W1 = jax.random.normal(ks[2], (E, D_MODEL, D_FF), dtype=jnp.float32) * 0.02
    b1 = jnp.zeros((E, D_FF), dtype=jnp.float32)
    W2 = jax.random.normal(ks[3], (E, D_FF, D_MODEL), dtype=jnp.float32) * 0.02
    b2 = jnp.zeros((E, D_MODEL), dtype=jnp.float32)
    return {"x": x, "Wg": Wg, "bg": bg, "W1": W1, "b1": b1, "W2": W2, "b2": b2}


def reference(x, Wg, bg, W1, b1, W2, b2):
    B, T, D = x.shape
    x_flat = x.reshape(-1, D)
    N = x_flat.shape[0]
    n_experts = W1.shape[0]
    # router
    gate_logits = x_flat @ Wg + bg
    top_k_logits, top_k_idx = jax.lax.top_k(gate_logits, TOP_K)
    gate_weights = jax.nn.softmax(top_k_logits, axis=-1)
    # combine weights: scatter gate weights into dense [N, E] (equivalent to
    # torch per-expert masked gather + scatter_add_ since topk indices are
    # unique per token)
    combine = jnp.zeros((N, n_experts), dtype=x.dtype).at[
        jnp.arange(N)[:, None], top_k_idx
    ].add(gate_weights)
    # experts (dropout is identity in eval / p=0.0); torch nn.GELU default is exact (erf)
    h = jax.nn.gelu(jnp.einsum('nd,edf->enf', x_flat, W1) + b1[:, None, :], approximate=False)
    y = jnp.einsum('enf,efd->end', h, W2) + b2[:, None, :]
    out = jnp.einsum('end,ne->nd', y, combine)
    return out.reshape(B, T, D)

if __name__ == "__main__":
    import jax
    _d = setup_inputs()
    print(jax.jit(kernel)(*tuple(_d.values())))

</pallas_src>

<mosaic_0001>
#map = affine_map<(d0, d1) -> (0, 0)>
#map1 = affine_map<(d0, d1) -> (0)>
module attributes {stable_mosaic.version = 14 : i64} {
  func.func @k(%arg0: i32, %arg1: i32, %arg2: memref<2048x768xf32, #tpu.memory_space<hbm>>, %arg3: memref<2048xi32, #tpu.memory_space<hbm>>, %arg4: memref<2048x768xf32, #tpu.memory_space<hbm>>, %arg5: memref<64xi32, #tpu.memory_space<vmem>>, %arg6: memref<64x768xf32, #tpu.memory_space<vmem>>, %arg7: memref<!tpu.dma_semaphore, #tpu.memory_space<semaphore_mem>>) attributes {dimension_semantics = [#tpu.dimension_semantics<core_parallel>, #tpu.dimension_semantics<subcore_parallel>], iteration_bounds = array<i64: 2, 16>, scalar_prefetch = 0 : i64, scratch_operands = 3 : i64, tpu.core_type = #tpu.core_type<sc_vector_subcore>, window_params = [{transform_indices = #map}, {transform_indices = #map1}, {transform_indices = #map}]} {
    %mul3A = arith.constant 2 : i32
    %mul3A_0 = arith.muli %arg1, %mul3A : i32
    %add3A = arith.addi %mul3A_0, %arg0 : i32
    %mul3A_1 = arith.constant 64 : i32
    %mul3A_2 = arith.muli %add3A, %mul3A_1 : i32
    "tpu.region"() ({
      %run_scoped3A = tpu.sem_alloc : memref<!tpu.dma_semaphore, #tpu.memory_space<semaphore_mem>>
      %dma_start3A_7 = tpu.memref_slice %arg3[%mul3A_2] : memref<2048xi32, #tpu.memory_space<hbm>> -> memref<64xi32, #tpu.memory_space<hbm>>
      %dma_start3A_8 = tpu.memref_slice %arg3[%mul3A_2] : memref<2048xi32, #tpu.memory_space<hbm>> -> memref<64xi32, #tpu.memory_space<hbm>>
      tpu.enqueue_dma source(%dma_start3A_8 : memref<64xi32, #tpu.memory_space<hbm>>) target(%arg5 : memref<64xi32, #tpu.memory_space<vmem>>) target_semaphore(%run_scoped3A : memref<!tpu.dma_semaphore, #tpu.memory_space<semaphore_mem>>)
      %dma_wait3A_9 = tpu.memref_slice %arg3[%mul3A_2] : memref<2048xi32, #tpu.memory_space<hbm>> -> memref<64xi32, #tpu.memory_space<hbm>>
      %dma_wait3A_10 = tpu.memref_slice %arg3[%mul3A_2] : memref<2048xi32, #tpu.memory_space<hbm>> -> memref<64xi32, #tpu.memory_space<hbm>>
      tpu.wait_dma2 semaphore(%run_scoped3A : memref<!tpu.dma_semaphore, #tpu.memory_space<semaphore_mem>>) src(%dma_wait3A_10 : memref<64xi32, #tpu.memory_space<hbm>>) dst(%arg5 : memref<64xi32, #tpu.memory_space<vmem>>)
      tpu.yield
    }) : () -> ()
    %dma_start3A = arith.constant 0 : i32
    %dma_start3A_3 = arith.constant 0 : i32
    %dma_start3A_4 = tpu.memref_slice %arg2[%dma_start3A, %dma_start3A_3] : memref<2048x768xf32, #tpu.memory_space<hbm>> -> memref<2048x768xf32, #tpu.memory_space<hbm>>
    tpu.enqueue_indirect_dma source(%dma_start3A_4 : memref<2048x768xf32, #tpu.memory_space<hbm>>) target(%arg6 : memref<64x768xf32, #tpu.memory_space<vmem>>) offsets(%arg5 : memref<64xi32, #tpu.memory_space<vmem>>) semaphore(%arg7 : memref<!tpu.dma_semaphore, #tpu.memory_space<semaphore_mem>>)
    %dma_wait3A = arith.constant 0 : i32
    %dma_wait3A_5 = arith.constant 0 : i32
    %dma_wait3A_6 = tpu.memref_slice %arg2[%dma_wait3A, %dma_wait3A_5] : memref<2048x768xf32, #tpu.memory_space<hbm>> -> memref<2048x768xf32, #tpu.memory_space<hbm>>
    tpu.wait_indirect_dma semaphore(%arg7 : memref<!tpu.dma_semaphore, #tpu.memory_space<semaphore_mem>>) src(%dma_wait3A_6 : memref<2048x768xf32, #tpu.memory_space<hbm>>) dst(%arg6 : memref<64x768xf32, #tpu.memory_space<vmem>>)
    "tpu.region"() ({
      %run_scoped3A = tpu.sem_alloc : memref<!tpu.dma_semaphore, #tpu.memory_space<semaphore_mem>>
      %dma_start3A_7 = arith.constant 0 : i32
      %dma_start3A_8 = tpu.memref_slice %arg4[%mul3A_2, %dma_start3A_7] : memref<2048x768xf32, #tpu.memory_space<hbm>> -> memref<64x768xf32, #tpu.memory_space<hbm>>
      %dma_start3A_9 = arith.constant 0 : i32
      %dma_start3A_10 = tpu.memref_slice %arg4[%mul3A_2, %dma_start3A_9] : memref<2048x768xf32, #tpu.memory_space<hbm>> -> memref<64x768xf32, #tpu.memory_space<hbm>>
      tpu.enqueue_dma source(%arg6 : memref<64x768xf32, #tpu.memory_space<vmem>>) target(%dma_start3A_10 : memref<64x768xf32, #tpu.memory_space<hbm>>) target_semaphore(%run_scoped3A : memref<!tpu.dma_semaphore, #tpu.memory_space<semaphore_mem>>)
      %dma_wait3A_11 = arith.constant 0 : i32
      %dma_wait3A_12 = tpu.memref_slice %arg4[%mul3A_2, %dma_wait3A_11] : memref<2048x768xf32, #tpu.memory_space<hbm>> -> memref<64x768xf32, #tpu.memory_space<hbm>>
      %dma_wait3A_13 = arith.constant 0 : i32
      %dma_wait3A_14 = tpu.memref_slice %arg4[%mul3A_2, %dma_wait3A_13] : memref<2048x768xf32, #tpu.memory_space<hbm>> -> memref<64x768xf32, #tpu.memory_space<hbm>>
      tpu.wait_dma2 semaphore(%run_scoped3A : memref<!tpu.dma_semaphore, #tpu.memory_space<semaphore_mem>>) src(%arg6 : memref<64x768xf32, #tpu.memory_space<vmem>>) dst(%dma_wait3A_14 : memref<64x768xf32, #tpu.memory_space<hbm>>)
      tpu.yield
    }) : () -> ()
    return
  }
}

#map = affine_map<(d0, d1) -> (0, 0)>
#map1 = affine_map<(d0, d1) -> (0)>
module attributes {stable_mosaic.version = 14 : i64} {
  func.func @k(%arg0: i32, %arg1: i32, %arg2: memref<2048x768xf32, #tpu.memory_space<hbm>>, %arg3: memref<2048xi32, #tpu.memory_space<hbm>>, %arg4: memref<2048x768xf32, #tpu.memory_space<hbm>>, %arg5: memref<64xi32, #tpu.memory_space<vmem>>, %arg6: memref<64x768xf32, #tpu.memory_space<vmem>>, %arg7: memref<!tpu.dma_semaphore, #tpu.memory_space<semaphore_mem>>) attributes {dimension_semantics = [#tpu.dimension_semantics<core_parallel>, #tpu.dimension_semantics<subcore_parallel>], iteration_bounds = array<i64: 2, 16>, scalar_prefetch = 0 : i64, scratch_operands = 3 : i64, tpu.core_type = #tpu.core_type<sc_vector_subcore>, window_params = [{transform_indices = #map}, {transform_indices = #map1}, {transform_indices = #map}]} {
    %mul3A = arith.constant 2 : i32
    %mul3A_0 = arith.muli %arg1, %mul3A : i32
    %add3A = arith.addi %mul3A_0, %arg0 : i32
    %mul3A_1 = arith.constant 64 : i32
    %mul3A_2 = arith.muli %add3A, %mul3A_1 : i32
    "tpu.region"() ({
      %run_scoped3A = tpu.sem_alloc : memref<!tpu.dma_semaphore, #tpu.memory_space<semaphore_mem>>
      %dma_start3A_7 = tpu.memref_slice %arg3[%mul3A_2] : memref<2048xi32, #tpu.memory_space<hbm>> -> memref<64xi32, #tpu.memory_space<hbm>>
      %dma_start3A_8 = tpu.memref_slice %arg3[%mul3A_2] : memref<2048xi32, #tpu.memory_space<hbm>> -> memref<64xi32, #tpu.memory_space<hbm>>
      tpu.enqueue_dma source(%dma_start3A_8 : memref<64xi32, #tpu.memory_space<hbm>>) target(%arg5 : memref<64xi32, #tpu.memory_space<vmem>>) target_semaphore(%run_scoped3A : memref<!tpu.dma_semaphore, #tpu.memory_space<semaphore_mem>>)
      %dma_wait3A_9 = tpu.memref_slice %arg3[%mul3A_2] : memref<2048xi32, #tpu.memory_space<hbm>> -> memref<64xi32, #tpu.memory_space<hbm>>
      %dma_wait3A_10 = tpu.memref_slice %arg3[%mul3A_2] : memref<2048xi32, #tpu.memory_space<hbm>> -> memref<64xi32, #tpu.memory_space<hbm>>
      tpu.wait_dma2 semaphore(%run_scoped3A : memref<!tpu.dma_semaphore, #tpu.memory_space<semaphore_mem>>) src(%dma_wait3A_10 : memref<64xi32, #tpu.memory_space<hbm>>) dst(%arg5 : memref<64xi32, #tpu.memory_space<vmem>>)
      tpu.yield
    }) : () -> ()
    "tpu.region"() ({
      %run_scoped3A = tpu.sem_alloc : memref<!tpu.dma_semaphore, #tpu.memory_space<semaphore_mem>>
      %dma_start3A_7 = arith.constant 0 : i32
      %dma_start3A_8 = tpu.memref_slice %arg2[%mul3A_2, %dma_start3A_7] : memref<2048x768xf32, #tpu.memory_space<hbm>> -> memref<64x768xf32, #tpu.memory_space<hbm>>
      %dma_start3A_9 = arith.constant 0 : i32
      %dma_start3A_10 = tpu.memref_slice %arg2[%mul3A_2, %dma_start3A_9] : memref<2048x768xf32, #tpu.memory_space<hbm>> -> memref<64x768xf32, #tpu.memory_space<hbm>>
      tpu.enqueue_dma source(%dma_start3A_10 : memref<64x768xf32, #tpu.memory_space<hbm>>) target(%arg6 : memref<64x768xf32, #tpu.memory_space<vmem>>) target_semaphore(%run_scoped3A : memref<!tpu.dma_semaphore, #tpu.memory_space<semaphore_mem>>)
      %dma_wait3A_11 = arith.constant 0 : i32
      %dma_wait3A_12 = tpu.memref_slice %arg2[%mul3A_2, %dma_wait3A_11] : memref<2048x768xf32, #tpu.memory_space<hbm>> -> memref<64x768xf32, #tpu.memory_space<hbm>>
      %dma_wait3A_13 = arith.constant 0 : i32
      %dma_wait3A_14 = tpu.memref_slice %arg2[%mul3A_2, %dma_wait3A_13] : memref<2048x768xf32, #tpu.memory_space<hbm>> -> memref<64x768xf32, #tpu.memory_space<hbm>>
      tpu.wait_dma2 semaphore(%run_scoped3A : memref<!tpu.dma_semaphore, #tpu.memory_space<semaphore_mem>>) src(%dma_wait3A_14 : memref<64x768xf32, #tpu.memory_space<hbm>>) dst(%arg6 : memref<64x768xf32, #tpu.memory_space<vmem>>)
      tpu.yield
    }) : () -> ()
    %dma_start3A = arith.constant 0 : i32
    %dma_start3A_3 = arith.constant 0 : i32
    %dma_start3A_4 = tpu.memref_slice %arg4[%dma_start3A, %dma_start3A_3] : memref<2048x768xf32, #tpu.memory_space<hbm>> -> memref<2048x768xf32, #tpu.memory_space<hbm>>
    tpu.enqueue_indirect_dma source(%arg6 : memref<64x768xf32, #tpu.memory_space<vmem>>) target(%dma_start3A_4 : memref<2048x768xf32, #tpu.memory_space<hbm>>) offsets(%arg5 : memref<64xi32, #tpu.memory_space<vmem>>) semaphore(%arg7 : memref<!tpu.dma_semaphore, #tpu.memory_space<semaphore_mem>>)
    %dma_wait3A = arith.constant 0 : i32
    %dma_wait3A_5 = arith.constant 0 : i32
    %dma_wait3A_6 = tpu.memref_slice %arg4[%dma_wait3A, %dma_wait3A_5] : memref<2048x768xf32, #tpu.memory_space<hbm>> -> memref<2048x768xf32, #tpu.memory_space<hbm>>
    tpu.wait_indirect_dma semaphore(%arg7 : memref<!tpu.dma_semaphore, #tpu.memory_space<semaphore_mem>>) src(%arg6 : memref<64x768xf32, #tpu.memory_space<vmem>>) dst(%dma_wait3A_6 : memref<2048x768xf32, #tpu.memory_space<hbm>>)
    return
  }
}

module attributes {stable_mosaic.version = 14 : i64} {
  func.func @_router_body(%arg0: memref<2048x768xf32, #tpu.memory_space<vmem>>, %arg1: memref<768x64xf32, #tpu.memory_space<vmem>>, %arg2: memref<1x64xf32, #tpu.memory_space<vmem>>, %arg3: memref<2048x1xi32, #tpu.memory_space<vmem>>, %arg4: memref<64x1xi32, #tpu.memory_space<vmem>>, %arg5: memref<64x1xi32, #tpu.memory_space<vmem>>) attributes {dimension_semantics = [], scalar_prefetch = 0 : i64, scratch_operands = 0 : i64, tpu.core_type = #tpu.core_type<tc>} {
    %get3A = arith.constant 0 : index
    %get3A_0 = arith.constant 0 : index
    %get3A_1 = vector.load %arg0[%get3A, %get3A_0] : memref<2048x768xf32, #tpu.memory_space<vmem>>, vector<2048x768xf32>
    %get3A_2 = arith.constant 0 : index
    %get3A_3 = arith.constant 0 : index
    %get3A_4 = vector.load %arg1[%get3A_2, %get3A_3] : memref<768x64xf32, #tpu.memory_space<vmem>>, vector<768x64xf32>
    %dot_general3A = arith.constant dense<0.000000e+00> : vector<2048x64xf32>
    %dot_general3A_5 = tpu.matmul %get3A_1, %get3A_4, %dot_general3A {dimension_numbers = #tpu.dot_dimension_numbers<[1], [0], [0], [1], [0, 0, 1, 1], [], []>, transpose_lhs_hint = false} : vector<2048x768xf32>, vector<768x64xf32>, vector<2048x64xf32> -> vector<2048x64xf32>
    %get3A_6 = arith.constant 0 : index
    %get3A_7 = arith.constant 0 : index
    %get3A_8 = vector.load %arg2[%get3A_6, %get3A_7] : memref<1x64xf32, #tpu.memory_space<vmem>>, vector<1x64xf32>
    %add3A = vector.broadcast %get3A_8 : vector<1x64xf32> to vector<2048x64xf32>
    %add3A_9 = arith.addf %dot_general3A_5, %add3A : vector<2048x64xf32>
    %reduce_max3A = arith.constant dense<0xFF800000> : vector<2048xf32>
    %reduce_max3A_10 = vector.multi_reduction <maximumf>, %add3A_9, %reduce_max3A [1] : vector<2048x64xf32> to vector<2048xf32>
    %broadcast_in_dim3A = vector.shape_cast %reduce_max3A_10 : vector<2048xf32> to vector<2048x1xf32>
    %iota3A = tpu.iota {dimensions = array<i32: 1>} : vector<2048x64xi32>
    %eq3A = vector.broadcast %broadcast_in_dim3A : vector<2048x1xf32> to vector<2048x64xf32>
    %eq3A_11 = arith.cmpf oeq, %add3A_9, %eq3A : vector<2048x64xf32>
    %jit3A = arith.constant 64 : i32
    %broadcast_in_dim3A_12 = vector.broadcast %jit3A : i32 to vector<2048x64xi32>
    %select_n3A = arith.select %eq3A_11, %iota3A, %broadcast_in_dim3A_12 : vector<2048x64xi1>, vector<2048x64xi32>
    %reduce_min3A = arith.constant dense<2147483647> : vector<2048xi32>
    %reduce_min3A_13 = vector.multi_reduction <minsi>, %select_n3A, %reduce_min3A [1] : vector<2048x64xi32> to vector<2048xi32>
    %broadcast_in_dim3A_14 = vector.shape_cast %reduce_min3A_13 : vector<2048xi32> to vector<2048x1xi32>
    %eq3A_15 = vector.broadcast %broadcast_in_dim3A_14 : vector<2048x1xi32> to vector<2048x64xi32>
    %eq3A_16 = arith.cmpi eq, %iota3A, %eq3A_15 : vector<2048x64xi32>
    %convert_element_type3A = arith.extui %eq3A_16 : vector<2048x64xi1> to vector<2048x64xi32>
    %convert_element_type3A_17 = arith.sitofp %convert_element_type3A : vector<2048x64xi32> to vector<2048x64xf32>
    %iota3A_18 = tpu.iota {dimensions = array<i32: 0>} : vector<256x256xi32>
    %iota3A_19 = tpu.iota {dimensions = array<i32: 1>} : vector<256x256xi32>
    %lt3A = arith.cmpi slt, %iota3A_19, %iota3A_18 : vector<256x256xi32>
    %convert_element_type3A_20 = arith.extui %lt3A : vector<256x256xi1> to vector<256x256xi32>
    %convert_element_type3A_21 = arith.sitofp %convert_element_type3A_20 : vector<256x256xi32> to vector<256x256xf32>
    %convert_element_type3A_22 = arith.truncf %convert_element_type3A_21 : vector<256x256xf32> to vector<256x256xbf16>
    %broadcast_in_dim3A_23 = arith.constant 0.000000e+00 : f32
    %broadcast_in_dim3A_24 = vector.broadcast %broadcast_in_dim3A_23 : f32 to vector<1x64xf32>
    %slice3A = vector.extract_strided_slice %convert_element_type3A_17 {offsets = [0, 0], sizes = [256, 64], strides = [1, 1]} : vector<2048x64xf32> to vector<256x64xf32>
    %convert_element_type3A_25 = arith.truncf %slice3A : vector<256x64xf32> to vector<256x64xbf16>
    %dot_general3A_26 = arith.constant dense<0.000000e+00> : vector<256x64xf32>
    %dot_general3A_27 = tpu.matmul %convert_element_type3A_22, %convert_element_type3A_25, %dot_general3A_26 {dimension_numbers = #tpu.dot_dimension_numbers<[1], [0], [0], [1], [0, 0, 1, 1], [], []>, transpose_lhs_hint = false} : vector<256x256xbf16>, vector<256x64xbf16>, vector<256x64xf32> -> vector<256x64xf32>
    %add3A_28 = vector.broadcast %broadcast_in_dim3A_24 : vector<1x64xf32> to vector<256x64xf32>
    %add3A_29 = arith.addf %dot_general3A_27, %add3A_28 : vector<256x64xf32>
    %mul3A = arith.mulf %add3A_29, %slice3A : vector<256x64xf32>
    %reduce_sum3A = arith.constant dense<0.000000e+00> : vector<256xf32>
    %reduce_sum3A_30 = vector.multi_reduction <add>, %mul3A, %reduce_sum3A [1] : vector<256x64xf32> to vector<256xf32>
    %broadcast_in_dim3A_31 = vector.shape_cast %reduce_sum3A_30 : vector<256xf32> to vector<256x1xf32>
    %reduce_sum3A_32 = arith.constant dense<0.000000e+00> : vector<64xf32>
    %reduce_sum3A_33 = vector.multi_reduction <add>, %slice3A, %reduce_sum3A_32 [0] : vector<256x64xf32> to vector<64xf32>
    %broadcast_in_dim3A_34 = vector.shape_cast %reduce_sum3A_33 : vector<64xf32> to vector<1x64xf32>
    %add3A_35 = arith.addf %broadcast_in_dim3A_24, %broadcast_in_dim3A_34 : vector<1x64xf32>
    %slice3A_36 = vector.extract_strided_slice %convert_element_type3A_17 {offsets = [256, 0], sizes = [256, 64], strides = [1, 1]} : vector<2048x64xf32> to vector<256x64xf32>
    %convert_element_type3A_37 = arith.truncf %slice3A_36 : vector<256x64xf32> to vector<256x64xbf16>
    %dot_general3A_38 = arith.constant dense<0.000000e+00> : vector<256x64xf32>
    %dot_general3A_39 = tpu.matmul %convert_element_type3A_22, %convert_element_type3A_37, %dot_general3A_38 {dimension_numbers = #tpu.dot_dimension_numbers<[1], [0], [0], [1], [0, 0, 1, 1], [], []>, transpose_lhs_hint = false} : vector<256x256xbf16>, vector<256x64xbf16>, vector<256x64xf32> -> vector<256x64xf32>
    %add3A_40 = vector.broadcast %add3A_35 : vector<1x64xf32> to vector<256x64xf32>
    %add3A_41 = arith.addf %dot_general3A_39, %add3A_40 : vector<256x64xf32>
    %mul3A_42 = arith.mulf %add3A_41, %slice3A_36 : vector<256x64xf32>
    %reduce_sum3A_43 = arith.constant dense<0.000000e+00> : vector<256xf32>
    %reduce_sum3A_44 = vector.multi_reduction <add>, %mul3A_42, %reduce_sum3A_43 [1] : vector<256x64xf32> to vector<256xf32>
    %broadcast_in_dim3A_45 = vector.shape_cast %reduce_sum3A_44 : vector<256xf32> to vector<256x1xf32>
    %reduce_sum3A_46 = arith.constant dense<0.000000e+00> : vector<64xf32>
    %reduce_sum3A_47 = vector.multi_reduction <add>, %slice3A_36, %reduce_sum3A_46 [0] : vector<256x64xf32> to vector<64xf32>
    %broadcast_in_dim3A_48 = vector.shape_cast %reduce_sum3A_47 : vector<64xf32> to vector<1x64xf32>
    %add3A_49 = arith.addf %add3A_35, %broadcast_in_dim3A_48 : vector<1x64xf32>
    %slice3A_50 = vector.extract_strided_slice %convert_element_type3A_17 {offsets = [512, 0], sizes = [256, 64], strides = [1, 1]} : vector<2048x64xf32> to vector<256x64xf32>
    %convert_element_type3A_51 = arith.truncf %slice3A_50 : vector<256x64xf32> to vector<256x64xbf16>
    %dot_general3A_52 = arith.constant dense<0.000000e+00> : vector<256x64xf32>
    %dot_general3A_53 = tpu.matmul %convert_element_type3A_22, %convert_element_type3A_51, %dot_general3A_52 {dimension_numbers = #tpu.dot_dimension_numbers<[1], [0], [0], [1], [0, 0, 1, 1], [], []>, transpose_lhs_hint = false} : vector<256x256xbf16>, vector<256x64xbf16>, vector<256x64xf32> -> vector<256x64xf32>
    %add3A_54 = vector.broadcast %add3A_49 : vector<1x64xf32> to vector<256x64xf32>
    %add3A_55 = arith.addf %dot_general3A_53, %add3A_54 : vector<256x64xf32>
    %mul3A_56 = arith.mulf %add3A_55, %slice3A_50 : vector<256x64xf32>
    %reduce_sum3A_57 = arith.constant dense<0.000000e+00> : vector<256xf32>
    %reduce_sum3A_58 = vector.multi_reduction <add>, %mul3A_56, %reduce_sum3A_57 [1] : vector<256x64xf32> to vector<256xf32>
    %broadcast_in_dim3A_59 = vector.shape_cast %reduce_sum3A_58 : vector<256xf32> to vector<256x1xf32>
    %reduce_sum3A_60 = arith.constant dense<0.000000e+00> : vector<64xf32>
    %reduce_sum3A_61 = vector.multi_reduction <add>, %slice3A_50, %reduce_sum3A_60 [0] : vector<256x64xf32> to vector<64xf32>
    %broadcast_in_dim3A_62 = vector.shape_cast %reduce_sum3A_61 : vector<64xf32> to vector<1x64xf32>
    %add3A_63 = arith.addf %add3A_49, %broadcast_in_dim3A_62 : vector<1x64xf32>
    %slice3A_64 = vector.extract_strided_slice %convert_element_type3A_17 {offsets = [768, 0], sizes = [256, 64], strides = [1, 1]} : vector<2048x64xf32> to vector<256x64xf32>
    %convert_element_type3A_65 = arith.truncf %slice3A_64 : vector<256x64xf32> to vector<256x64xbf16>
    %dot_general3A_66 = arith.constant dense<0.000000e+00> : vector<256x64xf32>
    %dot_general3A_67 = tpu.matmul %convert_element_type3A_22, %convert_element_type3A_65, %dot_general3A_66 {dimension_numbers = #tpu.dot_dimension_numbers<[1], [0], [0], [1], [0, 0, 1, 1], [], []>, transpose_lhs_hint = false} : vector<256x256xbf16>, vector<256x64xbf16>, vector<256x64xf32> -> vector<256x64xf32>
    %add3A_68 = vector.broadcast %add3A_63 : vector<1x64xf32> to vector<256x64xf32>
    %add3A_69 = arith.addf %dot_general3A_67, %add3A_68 : vector<256x64xf32>
    %mul3A_70 = arith.mulf %add3A_69, %slice3A_64 : vector<256x64xf32>
    %reduce_sum3A_71 = arith.constant dense<0.000000e+00> : vector<256xf32>
    %reduce_sum3A_72 = vector.multi_reduction <add>, %mul3A_70, %reduce_sum3A_71 [1] : vector<256x64xf32> to vector<256xf32>
    %broadcast_in_dim3A_73 = vector.shape_cast %reduce_sum3A_72 : vector<256xf32> to vector<256x1xf32>
    %reduce_sum3A_74 = arith.constant dense<0.000000e+00> : vector<64xf32>
    %reduce_sum3A_75 = vector.multi_reduction <add>, %slice3A_64, %reduce_sum3A_74 [0] : vector<256x64xf32> to vector<64xf32>
    %broadcast_in_dim3A_76 = vector.shape_cast %reduce_sum3A_75 : vector<64xf32> to vector<1x64xf32>
    %add3A_77 = arith.addf %add3A_63, %broadcast_in_dim3A_76 : vector<1x64xf32>
    %slice3A_78 = vector.extract_strided_slice %convert_element_type3A_17 {offsets = [1024, 0], sizes = [256, 64], strides = [1, 1]} : vector<2048x64xf32> to vector<256x64xf32>
    %convert_element_type3A_79 = arith.truncf %slice3A_78 : vector<256x64xf32> to vector<256x64xbf16>
    %dot_general3A_80 = arith.constant dense<0.000000e+00> : vector<256x64xf32>
    %dot_general3A_81 = tpu.matmul %convert_element_type3A_22, %convert_element_type3A_79, %dot_general3A_80 {dimension_numbers = #tpu.dot_dimension_numbers<[1], [0], [0], [1], [0, 0, 1, 1], [], []>, transpose_lhs_hint = false} : vector<256x256xbf16>, vector<256x64xbf16>, vector<256x64xf32> -> vector<256x64xf32>
    %add3A_82 = vector.broadcast %add3A_77 : vector<1x64xf32> to vector<256x64xf32>
    %add3A_83 = arith.addf %dot_general3A_81, %add3A_82 : vector<256x64xf32>
    %mul3A_84 = arith.mulf %add3A_83, %slice3A_78 : vector<256x64xf32>
    %reduce_sum3A_85 = arith.constant dense<0.000000e+00> : vector<256xf32>
    %reduce_sum3A_86 = vector.multi_reduction <add>, %mul3A_84, %reduce_sum3A_85 [1] : vector<256x64xf32> to vector<256xf32>
    %broadcast_in_dim3A_87 = vector.shape_cast %reduce_sum3A_86 : vector<256xf32> to vector<256x1xf32>
    %reduce_sum3A_88 = arith.constant dense<0.000000e+00> : vector<64xf32>
    %reduce_sum3A_89 = vector.multi_reduction <add>, %slice3A_78, %reduce_sum3A_88 [0] : vector<256x64xf32> to vector<64xf32>
    %broadcast_in_dim3A_90 = vector.shape_cast %reduce_sum3A_89 : vector<64xf32> to vector<1x64xf32>
    %add3A_91 = arith.addf %add3A_77, %broadcast_in_dim3A_90 : vector<1x64xf32>
    %slice3A_92 = vector.extract_strided_slice %convert_element_type3A_17 {offsets = [1280, 0], sizes = [256, 64], strides = [1, 1]} : vector<2048x64xf32> to vector<256x64xf32>
    %convert_element_type3A_93 = arith.truncf %slice3A_92 : vector<256x64xf32> to vector<256x64xbf16>
    %dot_general3A_94 = arith.constant dense<0.000000e+00> : vector<256x64xf32>
    %dot_general3A_95 = tpu.matmul %convert_element_type3A_22, %convert_element_type3A_93, %dot_general3A_94 {dimension_numbers = #tpu.dot_dimension_numbers<[1], [0], [0], [1], [0, 0, 1, 1], [], []>, transpose_lhs_hint = false} : vector<256x256xbf16>, vector<256x64xbf16>, vector<256x64xf32> -> vector<256x64xf32>
    %add3A_96 = vector.broadcast %add3A_91 : vector<1x64xf32> to vector<256x64xf32>
    %add3A_97 = arith.addf %dot_general3A_95, %add3A_96 : vector<256x64xf32>
    %mul3A_98 = arith.mulf %add3A_97, %slice3A_92 : vector<256x64xf32>
    %reduce_sum3A_99 = arith.constant dense<0.000000e+00> : vector<256xf32>
    %reduce_sum3A_100 = vector.multi_reduction <add>, %mul3A_98, %reduce_sum3A_99 [1] : vector<256x64xf32> to vector<256xf32>
    %broadcast_in_dim3A_101 = vector.shape_cast %reduce_sum3A_100 : vector<256xf32> to vector<256x1xf32>
    %reduce_sum3A_102 = arith.constant dense<0.000000e+00> : vector<64xf32>
    %reduce_sum3A_103 = vector.multi_reduction <add>, %slice3A_92, %reduce_sum3A_102 [0] : vector<256x64xf32> to vector<64xf32>
    %broadcast_in_dim3A_104 = vector.shape_cast %reduce_sum3A_103 : vector<64xf32> to vector<1x64xf32>
    %add3A_105 = arith.addf %add3A_91, %broadcast_in_dim3A_104 : vector<1x64xf32>
    %slice3A_106 = vector.extract_strided_slice %convert_element_type3A_17 {offsets = [1536, 0], sizes = [256, 64], strides = [1, 1]} : vector<2048x64xf32> to vector<256x64xf32>
    %convert_element_type3A_107 = arith.truncf %slice3A_106 : vector<256x64xf32> to vector<256x64xbf16>
    %dot_general3A_108 = arith.constant dense<0.000000e+00> : vector<256x64xf32>
    %dot_general3A_109 = tpu.matmul %convert_element_type3A_22, %convert_element_type3A_107, %dot_general3A_108 {dimension_numbers = #tpu.dot_dimension_numbers<[1], [0], [0], [1], [0, 0, 1, 1], [], []>, transpose_lhs_hint = false} : vector<256x256xbf16>, vector<256x64xbf16>, vector<256x64xf32> -> vector<256x64xf32>
    %add3A_110 = vector.broadcast %add3A_105 : vector<1x64xf32> to vector<256x64xf32>
    %add3A_111 = arith.addf %dot_general3A_109, %add3A_110 : vector<256x64xf32>
    %mul3A_112 = arith.mulf %add3A_111, %slice3A_106 : vector<256x64xf32>
    %reduce_sum3A_113 = arith.constant dense<0.000000e+00> : vector<256xf32>
    %reduce_sum3A_114 = vector.multi_reduction <add>, %mul3A_112, %reduce_sum3A_113 [1] : vector<256x64xf32> to vector<256xf32>
    %broadcast_in_dim3A_115 = vector.shape_cast %reduce_sum3A_114 : vector<256xf32> to vector<256x1xf32>
    %reduce_sum3A_116 = arith.constant dense<0.000000e+00> : vector<64xf32>
    %reduce_sum3A_117 = vector.multi_reduction <add>, %slice3A_106, %reduce_sum3A_116 [0] : vector<256x64xf32> to vector<64xf32>
    %broadcast_in_dim3A_118 = vector.shape_cast %reduce_sum3A_117 : vector<64xf32> to vector<1x64xf32>
    %add3A_119 = arith.addf %add3A_105, %broadcast_in_dim3A_118 : vector<1x64xf32>
    %slice3A_120 = vector.extract_strided_slice %convert_element_type3A_17 {offsets = [1792, 0], sizes = [256, 64], strides = [1, 1]} : vector<2048x64xf32> to vector<256x64xf32>
    %convert_element_type3A_121 = arith.truncf %slice3A_120 : vector<256x64xf32> to vector<256x64xbf16>
    %dot_general3A_122 = arith.constant dense<0.000000e+00> : vector<256x64xf32>
    %dot_general3A_123 = tpu.matmul %convert_element_type3A_22, %convert_element_type3A_121, %dot_general3A_122 {dimension_numbers = #tpu.dot_dimension_numbers<[1], [0], [0], [1], [0, 0, 1, 1], [], []>, transpose_lhs_hint = false} : vector<256x256xbf16>, vector<256x64xbf16>, vector<256x64xf32> -> vector<256x64xf32>
    %add3A_124 = vector.broadcast %add3A_119 : vector<1x64xf32> to vector<256x64xf32>
    %add3A_125 = arith.addf %dot_general3A_123, %add3A_124 : vector<256x64xf32>
    %mul3A_126 = arith.mulf %add3A_125, %slice3A_120 : vector<256x64xf32>
    %reduce_sum3A_127 = arith.constant dense<0.000000e+00> : vector<256xf32>
    %reduce_sum3A_128 = vector.multi_reduction <add>, %mul3A_126, %reduce_sum3A_127 [1] : vector<256x64xf32> to vector<256xf32>
    %broadcast_in_dim3A_129 = vector.shape_cast %reduce_sum3A_128 : vector<256xf32> to vector<256x1xf32>
    %concatenate3A = tpu.concatenate %broadcast_in_dim3A_31, %broadcast_in_dim3A_45, %broadcast_in_dim3A_59, %broadcast_in_dim3A_73, %broadcast_in_dim3A_87, %broadcast_in_dim3A_101, %broadcast_in_dim3A_115, %broadcast_in_dim3A_129 in 0 : vector<256x1xf32>, vector<256x1xf32>, vector<256x1xf32>, vector<256x1xf32>, vector<256x1xf32>, vector<256x1xf32>, vector<256x1xf32>, vector<256x1xf32> -> vector<2048x1xf32>
    %reduce_sum3A_130 = arith.constant dense<0.000000e+00> : vector<64xf32>
    %reduce_sum3A_131 = vector.multi_reduction <add>, %convert_element_type3A_17, %reduce_sum3A_130 [0] : vector<2048x64xf32> to vector<64xf32>
    %broadcast_in_dim3A_132 = vector.shape_cast %reduce_sum3A_131 : vector<64xf32> to vector<1x64xf32>
    %iota3A_133 = tpu.iota {dimensions = array<i32: 0>} : vector<64x64xi32>
    %iota3A_134 = tpu.iota {dimensions = array<i32: 1>} : vector<64x64xi32>
    %broadcast_in_dim3A_135 = vector.shape_cast %broadcast_in_dim3A_132 : vector<1x64xf32> to vector<1x64xf32>
    %broadcast_in_dim3A_136 = vector.broadcast %broadcast_in_dim3A_135 : vector<1x64xf32> to vector<64x64xf32>
    %lt3A_137 = arith.cmpi slt, %iota3A_134, %iota3A_133 : vector<64x64xi32>
    %jit3A_138 = arith.constant 0.000000e+00 : f32
    %broadcast_in_dim3A_139 = vector.broadcast %jit3A_138 : f32 to vector<64x64xf32>
    %select_n3A_140 = arith.select %lt3A_137, %broadcast_in_dim3A_136, %broadcast_in_dim3A_139 : vector<64x64xi1>, vector<64x64xf32>
    %reduce_sum3A_141 = arith.constant dense<0.000000e+00> : vector<64xf32>
    %reduce_sum3A_142 = vector.multi_reduction <add>, %select_n3A_140, %reduce_sum3A_141 [1] : vector<64x64xf32> to vector<64xf32>
    %broadcast_in_dim3A_143 = vector.shape_cast %reduce_sum3A_142 : vector<64xf32> to vector<64x1xf32>
    %eq3A_144 = arith.cmpi eq, %iota3A_134, %iota3A_133 : vector<64x64xi32>
    %jit3A_145 = arith.constant 0.000000e+00 : f32
    %broadcast_in_dim3A_146 = vector.broadcast %jit3A_145 : f32 to vector<64x64xf32>
    %select_n3A_147 = arith.select %eq3A_144, %broadcast_in_dim3A_136, %broadcast_in_dim3A_146 : vector<64x64xi1>, vector<64x64xf32>
    %reduce_sum3A_148 = arith.constant dense<0.000000e+00> : vector<64xf32>
    %reduce_sum3A_149 = vector.multi_reduction <add>, %select_n3A_147, %reduce_sum3A_148 [1] : vector<64x64xf32> to vector<64xf32>
    %broadcast_in_dim3A_150 = vector.shape_cast %reduce_sum3A_149 : vector<64xf32> to vector<64x1xf32>
    %add3A_151 = arith.addf %broadcast_in_dim3A_143, %broadcast_in_dim3A_150 : vector<64x1xf32>
    %eq3A_152 = arith.cmpi eq, %iota3A_134, %iota3A_133 : vector<64x64xi32>
    %broadcast_in_dim3A_153 = vector.shape_cast %broadcast_in_dim3A_143 : vector<64x1xf32> to vector<64x1xf32>
    %broadcast_in_dim3A_154 = vector.broadcast %broadcast_in_dim3A_153 : vector<64x1xf32> to vector<64x64xf32>
    %jit3A_155 = arith.constant 0.000000e+00 : f32
    %broadcast_in_dim3A_156 = vector.broadcast %jit3A_155 : f32 to vector<64x64xf32>
    %select_n3A_157 = arith.select %eq3A_152, %broadcast_in_dim3A_154, %broadcast_in_dim3A_156 : vector<64x64xi1>, vector<64x64xf32>
    %reduce_sum3A_158 = arith.constant dense<0.000000e+00> : vector<64xf32>
    %reduce_sum3A_159 = vector.multi_reduction <add>, %select_n3A_157, %reduce_sum3A_158 [0] : vector<64x64xf32> to vector<64xf32>
    %broadcast_in_dim3A_160 = vector.shape_cast %reduce_sum3A_159 : vector<64xf32> to vector<1x64xf32>
    %mul3A_161 = vector.broadcast %broadcast_in_dim3A_160 : vector<1x64xf32> to vector<2048x64xf32>
    %mul3A_162 = arith.mulf %mul3A_161, %convert_element_type3A_17 : vector<2048x64xf32>
    %reduce_sum3A_163 = arith.constant dense<0.000000e+00> : vector<2048xf32>
    %reduce_sum3A_164 = vector.multi_reduction <add>, %mul3A_162, %reduce_sum3A_163 [1] : vector<2048x64xf32> to vector<2048xf32>
    %broadcast_in_dim3A_165 = vector.shape_cast %reduce_sum3A_164 : vector<2048xf32> to vector<2048x1xf32>
    %add3A_166 = arith.addf %concatenate3A, %broadcast_in_dim3A_165 : vector<2048x1xf32>
    %convert_element_type3A_167 = arith.fptosi %add3A_166 : vector<2048x1xf32> to vector<2048x1xi32>
    %swap3A = arith.constant 0 : index
    %swap3A_168 = arith.constant 0 : index
    %swap3A_169 = vector.load %arg3[%swap3A, %swap3A_168] : memref<2048x1xi32, #tpu.memory_space<vmem>>, vector<2048x1xi32>
    tpu.vector_store %arg3[%swap3A, %swap3A_168], %convert_element_type3A_167 {strides = array<i32>} : memref<2048x1xi32, #tpu.memory_space<vmem>>, vector<2048x1xi32>,
    %convert_element_type3A_170 = arith.fptosi %broadcast_in_dim3A_143 : vector<64x1xf32> to vector<64x1xi32>
    %swap3A_171 = arith.constant 0 : index
    %swap3A_172 = arith.constant 0 : index
    %swap3A_173 = vector.load %arg4[%swap3A_171, %swap3A_172] : memref<64x1xi32, #tpu.memory_space<vmem>>, vector<64x1xi32>
    tpu.vector_store %arg4[%swap3A_171, %swap3A_172], %convert_element_type3A_170 {strides = array<i32>} : memref<64x1xi32, #tpu.memory_space<vmem>>, vector<64x1xi32>,
    %convert_element_type3A_174 = arith.fptosi %add3A_151 : vector<64x1xf32> to vector<64x1xi32>
    %swap3A_175 = arith.constant 0 : index
    %swap3A_176 = arith.constant 0 : index
    %swap3A_177 = vector.load %arg5[%swap3A_175, %swap3A_176] : memref<64x1xi32, #tpu.memory_space<vmem>>, vector<64x1xi32>
    tpu.vector_store %arg5[%swap3A_175, %swap3A_176], %convert_element_type3A_174 {strides = array<i32>} : memref<64x1xi32, #tpu.memory_space<vmem>>, vector<64x1xi32>,
    return
  }
}

module attributes {stable_mosaic.version = 14 : i64} {
  func.func @_ffn_body(%arg0: i32, %arg1: memref<64xi32, #tpu.memory_space<smem>>, %arg2: memref<64xi32, #tpu.memory_space<smem>>, %arg3: memref<2048x768xf32, #tpu.memory_space<vmem>>, %arg4: memref<64x768x768xf32, #tpu.memory_space<any>>, %arg5: memref<64x1x768xf32, #tpu.memory_space<vmem>>, %arg6: memref<64x768x768xf32, #tpu.memory_space<any>>, %arg7: memref<64x1x768xf32, #tpu.memory_space<vmem>>, %arg8: memref<2048x768xf32, #tpu.memory_space<vmem>>, %arg9: memref<3x768x768xf32, #tpu.memory_space<vmem>>, %arg10: memref<3x768x768xf32, #tpu.memory_space<vmem>>, %arg11: memref<3x!tpu.dma_semaphore, #tpu.memory_space<semaphore_mem>>, %arg12: memref<3x!tpu.dma_semaphore, #tpu.memory_space<semaphore_mem>>) attributes {dimension_semantics = [#tpu.dimension_semantics<arbitrary>], iteration_bounds = array<i64: 64>, scalar_prefetch = 2 : i64, scratch_operands = 4 : i64, tpu.core_type = #tpu.core_type<tc>, window_params = [{pipeline_mode = #tpu.pipeline_mode<synchronous>, transform_indices = @transform_0, window_bounds = array<i64: 2048, 768>}, {}, {pipeline_mode = #tpu.pipeline_mode<synchronous>, transform_indices = @transform_2, window_bounds = array<i64: 64, 1, 768>}, {}, {pipeline_mode = #tpu.pipeline_mode<synchronous>, transform_indices = @transform_4, window_bounds = array<i64: 64, 1, 768>}, {pipeline_mode = #tpu.pipeline_mode<synchronous>, transform_indices = @transform_5, window_bounds = array<i64: 2048, 768>}]} {
    %eq3A = arith.constant 0 : i32
    %eq3A_0 = arith.cmpi eq, %arg0, %eq3A : i32
    %convert_element_type3A = arith.extui %eq3A_0 : i1 to i32
    %cond3A = arith.constant 0 : i32
    %cond3A_1 = arith.cmpi ne, %convert_element_type3A, %cond3A : i32
    scf.if %cond3A_1 {
      %broadcast_in_dim3A = arith.constant 0.000000e+00 : f32
      %broadcast_in_dim3A_110 = vector.broadcast %broadcast_in_dim3A : f32 to vector<2048x768xf32>
      %swap3A = arith.constant 0 : index
      %swap3A_111 = arith.constant 0 : index
      %swap3A_112 = vector.load %arg8[%swap3A, %swap3A_111] : memref<2048x768xf32, #tpu.memory_space<vmem>>, vector<2048x768xf32>
      tpu.vector_store %arg8[%swap3A, %swap3A_111], %broadcast_in_dim3A_110 {strides = array<i32>} : memref<2048x768xf32, #tpu.memory_space<vmem>>, vector<2048x768xf32>,
      %dma_start3A = arith.constant 0 : i32
      %dma_start3A_113 = arith.constant 0 : i32
      %dma_start3A_114 = arith.constant 0 : i32
      %dma_start3A_115 = tpu.memref_slice %arg11[%dma_start3A_114] : memref<3x!tpu.dma_semaphore, #tpu.memory_space<semaphore_mem>> -> memref<1x!tpu.dma_semaphore, #tpu.memory_space<semaphore_mem>>
      %dma_start3A_116 = tpu.memref_squeeze %dma_start3A_115 : memref<1x!tpu.dma_semaphore, #tpu.memory_space<semaphore_mem>> -> memref<!tpu.dma_semaphore, #tpu.memory_space<semaphore_mem>>
      %dma_start3A_117 = arith.constant 0 : i32
      %dma_start3A_118 = arith.constant 0 : i32
      %dma_start3A_119 = tpu.memref_slice %arg9[%dma_start3A_113, %dma_start3A_117, %dma_start3A_118] : memref<3x768x768xf32, #tpu.memory_space<vmem>> -> memref<1x768x768xf32, #tpu.memory_space<vmem>>
      %dma_start3A_120 = tpu.memref_squeeze %dma_start3A_119 : memref<1x768x768xf32, #tpu.memory_space<vmem>> -> memref<768x768xf32, #tpu.memory_space<vmem>>
      %dma_start3A_121 = arith.constant 0 : i32
      %dma_start3A_122 = arith.constant 0 : i32
      %dma_start3A_123 = tpu.memref_slice %arg4[%dma_start3A, %dma_start3A_121, %dma_start3A_122] : memref<64x768x768xf32, #tpu.memory_space<any>> -> memref<1x768x768xf32, #tpu.memory_space<any>>
      %dma_start3A_124 = tpu.memref_squeeze %dma_start3A_123 : memref<1x768x768xf32, #tpu.memory_space<any>> -> memref<768x768xf32, #tpu.memory_space<any>>
      tpu.enqueue_dma source(%dma_start3A_124 : memref<768x768xf32, #tpu.memory_space<any>>) target(%dma_start3A_120 : memref<768x768xf32, #tpu.memory_space<vmem>>) target_semaphore(%dma_start3A_116 : memref<!tpu.dma_semaphore, #tpu.memory_space<semaphore_mem>>)
      %dma_start3A_125 = arith.constant 0 : i32
      %dma_start3A_126 = arith.constant 0 : i32
      %dma_start3A_127 = arith.constant 0 : i32
      %dma_start3A_128 = tpu.memref_slice %arg12[%dma_start3A_127] : memref<3x!tpu.dma_semaphore, #tpu.memory_space<semaphore_mem>> -> memref<1x!tpu.dma_semaphore, #tpu.memory_space<semaphore_mem>>
      %dma_start3A_129 = tpu.memref_squeeze %dma_start3A_128 : memref<1x!tpu.dma_semaphore, #tpu.memory_space<semaphore_mem>> -> memref<!tpu.dma_semaphore, #tpu.memory_space<semaphore_mem>>
      %dma_start3A_130 = arith.constant 0 : i32
      %dma_start3A_131 = arith.constant 0 : i32
      %dma_start3A_132 = tpu.memref_slice %arg10[%dma_start3A_126, %dma_start3A_130, %dma_start3A_131] : memref<3x768x768xf32, #tpu.memory_space<vmem>> -> memref<1x768x768xf32, #tpu.memory_space<vmem>>
      %dma_start3A_133 = tpu.memref_squeeze %dma_start3A_132 : memref<1x768x768xf32, #tpu.memory_space<vmem>> -> memref<768x768xf32, #tpu.memory_space<vmem>>
      %dma_start3A_134 = arith.constant 0 : i32
      %dma_start3A_135 = arith.constant 0 : i32
      %dma_start3A_136 = tpu.memref_slice %arg6[%dma_start3A_125, %dma_start3A_134, %dma_start3A_135] : memref<64x768x768xf32, #tpu.memory_space<any>> -> memref<1x768x768xf32, #tpu.memory_space<any>>
      %dma_start3A_137 = tpu.memref_squeeze %dma_start3A_136 : memref<1x768x768xf32, #tpu.memory_space<any>> -> memref<768x768xf32, #tpu.memory_space<any>>
      tpu.enqueue_dma source(%dma_start3A_137 : memref<768x768xf32, #tpu.memory_space<any>>) target(%dma_start3A_133 : memref<768x768xf32, #tpu.memory_space<vmem>>) target_semaphore(%dma_start3A_129 : memref<!tpu.dma_semaphore, #tpu.memory_space<semaphore_mem>>)
      %dma_start3A_138 = arith.constant 1 : i32
      %dma_start3A_139 = arith.constant 1 : i32
      %dma_start3A_140 = arith.constant 1 : i32
      %dma_start3A_141 = tpu.memref_slice %arg11[%dma_start3A_140] : memref<3x!tpu.dma_semaphore, #tpu.memory_space<semaphore_mem>> -> memref<1x!tpu.dma_semaphore, #tpu.memory_space<semaphore_mem>>
      %dma_start3A_142 = tpu.memref_squeeze %dma_start3A_141 : memref<1x!tpu.dma_semaphore, #tpu.memory_space<semaphore_mem>> -> memref<!tpu.dma_semaphore, #tpu.memory_space<semaphore_mem>>
      %dma_start3A_143 = arith.constant 0 : i32
      %dma_start3A_144 = arith.constant 0 : i32
      %dma_start3A_145 = tpu.memref_slice %arg9[%dma_start3A_139, %dma_start3A_143, %dma_start3A_144] : memref<3x768x768xf32, #tpu.memory_space<vmem>> -> memref<1x768x768xf32, #tpu.memory_space<vmem>>
      %dma_start3A_146 = tpu.memref_squeeze %dma_start3A_145 : memref<1x768x768xf32, #tpu.memory_space<vmem>> -> memref<768x768xf32, #tpu.memory_space<vmem>>
      %dma_start3A_147 = arith.constant 0 : i32
      %dma_start3A_148 = arith.constant 0 : i32
      %dma_start3A_149 = tpu.memref_slice %arg4[%dma_start3A_138, %dma_start3A_147, %dma_start3A_148] : memref<64x768x768xf32, #tpu.memory_space<any>> -> memref<1x768x768xf32, #tpu.memory_space<any>>
      %dma_start3A_150 = tpu.memref_squeeze %dma_start3A_149 : memref<1x768x768xf32, #tpu.memory_space<any>> -> memref<768x768xf32, #tpu.memory_space<any>>
      tpu.enqueue_dma source(%dma_start3A_150 : memref<768x768xf32, #tpu.memory_space<any>>) target(%dma_start3A_146 : memref<768x768xf32, #tpu.memory_space<vmem>>) target_semaphore(%dma_start3A_142 : memref<!tpu.dma_semaphore, #tpu.memory_space<semaphore_mem>>)
      %dma_start3A_151 = arith.constant 1 : i32
      %dma_start3A_152 = arith.constant 1 : i32
      %dma_start3A_153 = arith.constant 1 : i32
      %dma_start3A_154 = tpu.memref_slice %arg12[%dma_start3A_153] : memref<3x!tpu.dma_semaphore, #tpu.memory_space<semaphore_mem>> -> memref<1x!tpu.dma_semaphore, #tpu.memory_space<semaphore_mem>>
      %dma_start3A_155 = tpu.memref_squeeze %dma_start3A_154 : memref<1x!tpu.dma_semaphore, #tpu.memory_space<semaphore_mem>> -> memref<!tpu.dma_semaphore, #tpu.memory_space<semaphore_mem>>
      %dma_start3A_156 = arith.constant 0 : i32
      %dma_start3A_157 = arith.constant 0 : i32
      %dma_start3A_158 = tpu.memref_slice %arg10[%dma_start3A_152, %dma_start3A_156, %dma_start3A_157] : memref<3x768x768xf32, #tpu.memory_space<vmem>> -> memref<1x768x768xf32, #tpu.memory_space<vmem>>
      %dma_start3A_159 = tpu.memref_squeeze %dma_start3A_158 : memref<1x768x768xf32, #tpu.memory_space<vmem>> -> memref<768x768xf32, #tpu.memory_space<vmem>>
      %dma_start3A_160 = arith.constant 0 : i32
      %dma_start3A_161 = arith.constant 0 : i32
      %dma_start3A_162 = tpu.memref_slice %arg6[%dma_start3A_151, %dma_start3A_160, %dma_start3A_161] : memref<64x768x768xf32, #tpu.memory_space<any>> -> memref<1x768x768xf32, #tpu.memory_space<any>>
      %dma_start3A_163 = tpu.memref_squeeze %dma_start3A_162 : memref<1x768x768xf32, #tpu.memory_space<any>> -> memref<768x768xf32, #tpu.memory_space<any>>
      tpu.enqueue_dma source(%dma_start3A_163 : memref<768x768xf32, #tpu.memory_space<any>>) target(%dma_start3A_159 : memref<768x768xf32, #tpu.memory_space<vmem>>) target_semaphore(%dma_start3A_155 : memref<!tpu.dma_semaphore, #tpu.memory_space<semaphore_mem>>)
    } else {
    }
    %add3A = arith.constant 3 : i32
    %add3A_2 = arith.addi %arg0, %add3A : i32
    %sub3A = arith.constant 1 : i32
    %sub3A_3 = arith.subi %add3A_2, %sub3A : i32
    %lt3A = arith.constant 64 : i32
    %lt3A_4 = arith.cmpi slt, %sub3A_3, %lt3A : i32
    %convert_element_type3A_5 = arith.extui %lt3A_4 : i1 to i32
    %cond3A_6 = arith.constant 0 : i32
    %cond3A_7 = arith.cmpi ne, %convert_element_type3A_5, %cond3A_6 : i32
    scf.if %cond3A_7 {
      %rem3A_110 = arith.constant 3 : i32
      %rem3A_111 = arith.remsi %sub3A_3, %rem3A_110 : i32
      %dma_start3A = tpu.memref_slice %arg11[%rem3A_111] : memref<3x!tpu.dma_semaphore, #tpu.memory_space<semaphore_mem>> -> memref<1x!tpu.dma_semaphore, #tpu.memory_space<semaphore_mem>>
      %dma_start3A_112 = tpu.memref_squeeze %dma_start3A : memref<1x!tpu.dma_semaphore, #tpu.memory_space<semaphore_mem>> -> memref<!tpu.dma_semaphore, #tpu.memory_space<semaphore_mem>>
      %dma_start3A_113 = arith.constant 0 : i32
      %dma_start3A_114 = arith.constant 0 : i32
      %dma_start3A_115 = tpu.memref_slice %arg9[%rem3A_111, %dma_start3A_113, %dma_start3A_114] : memref<3x768x768xf32, #tpu.memory_space<vmem>> -> memref<1x768x768xf32, #tpu.memory_space<vmem>>
      %dma_start3A_116 = tpu.memref_squeeze %dma_start3A_115 : memref<1x768x768xf32, #tpu.memory_space<vmem>> -> memref<768x768xf32, #tpu.memory_space<vmem>>
      %dma_start3A_117 = arith.constant 0 : i32
      %dma_start3A_118 = arith.constant 0 : i32
      %dma_start3A_119 = tpu.memref_slice %arg4[%sub3A_3, %dma_start3A_117, %dma_start3A_118] : memref<64x768x768xf32, #tpu.memory_space<any>> -> memref<1x768x768xf32, #tpu.memory_space<any>>
      %dma_start3A_120 = tpu.memref_squeeze %dma_start3A_119 : memref<1x768x768xf32, #tpu.memory_space<any>> -> memref<768x768xf32, #tpu.memory_space<any>>
      tpu.enqueue_dma source(%dma_start3A_120 : memref<768x768xf32, #tpu.memory_space<any>>) target(%dma_start3A_116 : memref<768x768xf32, #tpu.memory_space<vmem>>) target_semaphore(%dma_start3A_112 : memref<!tpu.dma_semaphore, #tpu.memory_space<semaphore_mem>>)
      %dma_start3A_121 = tpu.memref_slice %arg12[%rem3A_111] : memref<3x!tpu.dma_semaphore, #tpu.memory_space<semaphore_mem>> -> memref<1x!tpu.dma_semaphore, #tpu.memory_space<semaphore_mem>>
      %dma_start3A_122 = tpu.memref_squeeze %dma_start3A_121 : memref<1x!tpu.dma_semaphore, #tpu.memory_space<semaphore_mem>> -> memref<!tpu.dma_semaphore, #tpu.memory_space<semaphore_mem>>
      %dma_start3A_123 = arith.constant 0 : i32
      %dma_start3A_124 = arith.constant 0 : i32
      %dma_start3A_125 = tpu.memref_slice %arg10[%rem3A_111, %dma_start3A_123, %dma_start3A_124] : memref<3x768x768xf32, #tpu.memory_space<vmem>> -> memref<1x768x768xf32, #tpu.memory_space<vmem>>
      %dma_start3A_126 = tpu.memref_squeeze %dma_start3A_125 : memref<1x768x768xf32, #tpu.memory_space<vmem>> -> memref<768x768xf32, #tpu.memory_space<vmem>>
      %dma_start3A_127 = arith.constant 0 : i32
      %dma_start3A_128 = arith.constant 0 : i32
      %dma_start3A_129 = tpu.memref_slice %arg6[%sub3A_3, %dma_start3A_127, %dma_start3A_128] : memref<64x768x768xf32, #tpu.memory_space<any>> -> memref<1x768x768xf32, #tpu.memory_space<any>>
      %dma_start3A_130 = tpu.memref_squeeze %dma_start3A_129 : memref<1x768x768xf32, #tpu.memory_space<any>> -> memref<768x768xf32, #tpu.memory_space<any>>
      tpu.enqueue_dma source(%dma_start3A_130 : memref<768x768xf32, #tpu.memory_space<any>>) target(%dma_start3A_126 : memref<768x768xf32, #tpu.memory_space<vmem>>) target_semaphore(%dma_start3A_122 : memref<!tpu.dma_semaphore, #tpu.memory_space<semaphore_mem>>)
    } else {
    }
    %rem3A = arith.constant 3 : i32
    %rem3A_8 = arith.remsi %arg0, %rem3A : i32
    %dma_wait3A = tpu.memref_slice %arg11[%rem3A_8] : memref<3x!tpu.dma_semaphore, #tpu.memory_space<semaphore_mem>> -> memref<1x!tpu.dma_semaphore, #tpu.memory_space<semaphore_mem>>
    %dma_wait3A_9 = tpu.memref_squeeze %dma_wait3A : memref<1x!tpu.dma_semaphore, #tpu.memory_space<semaphore_mem>> -> memref<!tpu.dma_semaphore, #tpu.memory_space<semaphore_mem>>
    %dma_wait3A_10 = arith.constant 0 : i32
    %dma_wait3A_11 = arith.constant 0 : i32
    %dma_wait3A_12 = tpu.memref_slice %arg9[%rem3A_8, %dma_wait3A_10, %dma_wait3A_11] : memref<3x768x768xf32, #tpu.memory_space<vmem>> -> memref<1x768x768xf32, #tpu.memory_space<vmem>>
    %dma_wait3A_13 = tpu.memref_squeeze %dma_wait3A_12 : memref<1x768x768xf32, #tpu.memory_space<vmem>> -> memref<768x768xf32, #tpu.memory_space<vmem>>
    %dma_wait3A_14 = arith.constant 0 : i32
    %dma_wait3A_15 = arith.constant 0 : i32
    %dma_wait3A_16 = tpu.memref_slice %arg4[%arg0, %dma_wait3A_14, %dma_wait3A_15] : memref<64x768x768xf32, #tpu.memory_space<any>> -> memref<1x768x768xf32, #tpu.memory_space<any>>
    %dma_wait3A_17 = tpu.memref_squeeze %dma_wait3A_16 : memref<1x768x768xf32, #tpu.memory_space<any>> -> memref<768x768xf32, #tpu.memory_space<any>>
    tpu.wait_dma2 semaphore(%dma_wait3A_9 : memref<!tpu.dma_semaphore, #tpu.memory_space<semaphore_mem>>) src(%dma_wait3A_17 : memref<768x768xf32, #tpu.memory_space<any>>) dst(%dma_wait3A_13 : memref<768x768xf32, #tpu.memory_space<vmem>>)
    %dma_wait3A_18 = tpu.memref_slice %arg12[%rem3A_8] : memref<3x!tpu.dma_semaphore, #tpu.memory_space<semaphore_mem>> -> memref<1x!tpu.dma_semaphore, #tpu.memory_space<semaphore_mem>>
    %dma_wait3A_19 = tpu.memref_squeeze %dma_wait3A_18 : memref<1x!tpu.dma_semaphore, #tpu.memory_space<semaphore_mem>> -> memref<!tpu.dma_semaphore, #tpu.memory_space<semaphore_mem>>
    %dma_wait3A_20 = arith.constant 0 : i32
    %dma_wait3A_21 = arith.constant 0 : i32
    %dma_wait3A_22 = tpu.memref_slice %arg10[%rem3A_8, %dma_wait3A_20, %dma_wait3A_21] : memref<3x768x768xf32, #tpu.memory_space<vmem>> -> memref<1x768x768xf32, #tpu.memory_space<vmem>>
    %dma_wait3A_23 = tpu.memref_squeeze %dma_wait3A_22 : memref<1x768x768xf32, #tpu.memory_space<vmem>> -> memref<768x768xf32, #tpu.memory_space<vmem>>
    %dma_wait3A_24 = arith.constant 0 : i32
    %dma_wait3A_25 = arith.constant 0 : i32
    %dma_wait3A_26 = tpu.memref_slice %arg6[%arg0, %dma_wait3A_24, %dma_wait3A_25] : memref<64x768x768xf32, #tpu.memory_space<any>> -> memref<1x768x768xf32, #tpu.memory_space<any>>
    %dma_wait3A_27 = tpu.memref_squeeze %dma_wait3A_26 : memref<1x768x768xf32, #tpu.memory_space<any>> -> memref<768x768xf32, #tpu.memory_space<any>>
    tpu.wait_dma2 semaphore(%dma_wait3A_19 : memref<!tpu.dma_semaphore, #tpu.memory_space<semaphore_mem>>) src(%dma_wait3A_27 : memref<768x768xf32, #tpu.memory_space<any>>) dst(%dma_wait3A_23 : memref<768x768xf32, #tpu.memory_space<vmem>>)
    %get3A = arith.index_cast %arg0 : i32 to index
    %get3A_28 = memref.load %arg1[%get3A] : memref<64xi32, #tpu.memory_space<smem>>
    %get3A_29 = arith.index_cast %arg0 : i32 to index
    %get3A_30 = memref.load %arg2[%get3A_29] : memref<64xi32, #tpu.memory_space<smem>>
    %jit3A = arith.constant 8 : i32
    %div3A = arith.divsi %get3A_28, %jit3A : i32
    %sign3A = arith.constant 0 : i32
    %sign3A_31 = arith.cmpi sgt, %get3A_28, %sign3A : i32
    %sign3A_32 = arith.extui %sign3A_31 : i1 to i32
    %sign3A_33 = arith.constant 0 : i32
    %sign3A_34 = arith.cmpi slt, %get3A_28, %sign3A_33 : i32
    %sign3A_35 = arith.extui %sign3A_34 : i1 to i32
    %sign3A_36 = arith.subi %sign3A_32, %sign3A_35 : i32
    %sign3A_37 = arith.constant 0 : i32
    %sign3A_38 = arith.cmpi sgt, %jit3A, %sign3A_37 : i32
    %sign3A_39 = arith.extui %sign3A_38 : i1 to i32
    %sign3A_40 = arith.constant 0 : i32
    %sign3A_41 = arith.cmpi slt, %jit3A, %sign3A_40 : i32
    %sign3A_42 = arith.extui %sign3A_41 : i1 to i32
    %sign3A_43 = arith.subi %sign3A_39, %sign3A_42 : i32
    %ne3A = arith.cmpi ne, %sign3A_36, %sign3A_43 : i32
    %rem3A_44 = arith.remsi %get3A_28, %jit3A : i32
    %ne3A_45 = arith.constant 0 : i32
    %ne3A_46 = arith.cmpi ne, %rem3A_44, %ne3A_45 : i32
    %and3A = arith.andi %ne3A, %ne3A_46 : i1
    %sub3A_47 = arith.constant 1 : i32
    %sub3A_48 = arith.subi %div3A, %sub3A_47 : i32
    %select_n3A = arith.select %and3A, %sub3A_48, %div3A : i32
    %mul3A = arith.constant 8 : i32
    %mul3A_49 = arith.muli %select_n3A, %mul3A : i32
    %sub3A_50 = arith.subi %get3A_30, %mul3A_49 : i32
    %add3A_51 = arith.constant 256 : i32
    %add3A_52 = arith.addi %sub3A_50, %add3A_51 : i32
    %sub3A_53 = arith.constant 1 : i32
    %sub3A_54 = arith.subi %add3A_52, %sub3A_53 : i32
    %jit3A_55 = arith.constant 256 : i32
    %div3A_56 = arith.divsi %sub3A_54, %jit3A_55 : i32
    %sign3A_57 = arith.constant 0 : i32
    %sign3A_58 = arith.cmpi sgt, %sub3A_54, %sign3A_57 : i32
    %sign3A_59 = arith.extui %sign3A_58 : i1 to i32
    %sign3A_60 = arith.constant 0 : i32
    %sign3A_61 = arith.cmpi slt, %sub3A_54, %sign3A_60 : i32
    %sign3A_62 = arith.extui %sign3A_61 : i1 to i32
    %sign3A_63 = arith.subi %sign3A_59, %sign3A_62 : i32
    %sign3A_64 = arith.constant 0 : i32
    %sign3A_65 = arith.cmpi sgt, %jit3A_55, %sign3A_64 : i32
    %sign3A_66 = arith.extui %sign3A_65 : i1 to i32
    %sign3A_67 = arith.constant 0 : i32
    %sign3A_68 = arith.cmpi slt, %jit3A_55, %sign3A_67 : i32
    %sign3A_69 = arith.extui %sign3A_68 : i1 to i32
    %sign3A_70 = arith.subi %sign3A_66, %sign3A_69 : i32
    %ne3A_71 = arith.cmpi ne, %sign3A_63, %sign3A_70 : i32
    %rem3A_72 = arith.remsi %sub3A_54, %jit3A_55 : i32
    %ne3A_73 = arith.constant 0 : i32
    %ne3A_74 = arith.cmpi ne, %rem3A_72, %ne3A_73 : i32
    %and3A_75 = arith.andi %ne3A_71, %ne3A_74 : i1
    %sub3A_76 = arith.constant 1 : i32
    %sub3A_77 = arith.subi %div3A_56, %sub3A_76 : i32
    %select_n3A_78 = arith.select %and3A_75, %sub3A_77, %div3A_56 : i32
    %get3A_79 = arith.index_cast %rem3A_8 : i32 to index
    %get3A_80 = arith.constant 0 : index
    %get3A_81 = arith.constant 0 : index
    %get3A_82 = vector.load %arg9[%get3A_79, %get3A_80, %get3A_81] : memref<3x768x768xf32, #tpu.memory_space<vmem>>, vector<1x768x768xf32>
    %get3A_83 = vector.shape_cast %get3A_82 : vector<1x768x768xf32> to vector<768x768xf32>
    %convert_element_type3A_84 = arith.truncf %get3A_83 : vector<768x768xf32> to vector<768x768xbf16>
    %get3A_85 = arith.index_cast %rem3A_8 : i32 to index
    %get3A_86 = arith.constant 0 : index
    %get3A_87 = arith.constant 0 : index
    %get3A_88 = vector.load %arg10[%get3A_85, %get3A_86, %get3A_87] : memref<3x768x768xf32, #tpu.memory_space<vmem>>, vector<1x768x768xf32>
    %get3A_89 = vector.shape_cast %get3A_88 : vector<1x768x768xf32> to vector<768x768xf32>
    %convert_element_type3A_90 = arith.truncf %get3A_89 : vector<768x768xf32> to vector<768x768xbf16>
    %get3A_91 = arith.index_cast %arg0 : i32 to index
    %get3A_92 = arith.constant 0 : index
    %get3A_93 = arith.constant 0 : index
    %get3A_94 = vector.load %arg5[%get3A_91, %get3A_92, %get3A_93] : memref<64x1x768xf32, #tpu.memory_space<vmem>>, vector<1x1x768xf32>
    %get3A_95 = vector.shape_cast %get3A_94 : vector<1x1x768xf32> to vector<1x768xf32>
    %get3A_96 = arith.index_cast %arg0 : i32 to index
    %get3A_97 = arith.constant 0 : index
    %get3A_98 = arith.constant 0 : index
    %get3A_99 = vector.load %arg7[%get3A_96, %get3A_97, %get3A_98] : memref<64x1x768xf32, #tpu.memory_space<vmem>>, vector<1x1x768xf32>
    %get3A_100 = vector.shape_cast %get3A_99 : vector<1x1x768xf32> to vector<1x768xf32>
    %while3A = arith.constant 0 : i32
    %while3A_101 = arith.constant 0 : i32
    %while3A_102 = arith.subi %select_n3A_78, %while3A_101 : i32
    %while3A_103 = arith.addi %while3A_101, %while3A_102 : i32
    %while3A_104 = arith.constant 1 : i32
    %while3A_105 = arith.divsi %while3A_102, %while3A_104 : i32
    %while3A_106 = arith.muli %while3A_105, %while3A_104 : i32
    %while3A_107 = arith.addi %while3A_101, %while3A_106 : i32
    %while3A_108 = arith.constant 1 : i32
    scf.for %while3A_110 = %while3A_101 to %while3A_107 step %while3A_108  : i32 {
      %mul3A_111 = arith.constant 256 : i32
      %mul3A_112 = arith.muli %while3A_110, %mul3A_111 : i32
      %add3A_113 = arith.addi %mul3A_49, %mul3A_112 : i32
      %min3A = arith.constant 1792 : i32
      %min3A_114 = arith.minsi %add3A_113, %min3A : i32
      %get3A_115 = arith.index_cast %min3A_114 : i32 to index
      %get3A_116 = arith.constant 0 : index
      %get3A_117 = vector.load %arg3[%get3A_115, %get3A_116] : memref<2048x768xf32, #tpu.memory_space<vmem>>, vector<256x768xf32>
      %convert_element_type3A_118 = arith.truncf %get3A_117 : vector<256x768xf32> to vector<256x768xbf16>
      %dot_general3A = arith.constant dense<0.000000e+00> : vector<256x768xf32>
      %dot_general3A_119 = tpu.matmul %convert_element_type3A_118, %convert_element_type3A_84, %dot_general3A {dimension_numbers = #tpu.dot_dimension_numbers<[1], [0], [0], [1], [0, 0, 1, 1], [], []>, transpose_lhs_hint = false} : vector<256x768xbf16>, vector<768x768xbf16>, vector<256x768xf32> -> vector<256x768xf32>
      %add3A_120 = vector.broadcast %get3A_95 : vector<1x768xf32> to vector<256x768xf32>
      %add3A_121 = arith.addf %dot_general3A_119, %add3A_120 : vector<256x768xf32>
      %mul3A_122 = arith.constant 5.000000e-01 : f32
      %mul3A_123 = vector.broadcast %mul3A_122 : f32 to vector<256x768xf32>
      %mul3A_124 = arith.mulf %mul3A_123, %add3A_121 : vector<256x768xf32>
      %mul3A_125 = arith.constant 0.707106769 : f32
      %mul3A_126 = vector.broadcast %mul3A_125 : f32 to vector<256x768xf32>
      %mul3A_127 = arith.mulf %add3A_121, %mul3A_126 : vector<256x768xf32>
      %erf3A = math.erf %mul3A_127 : vector<256x768xf32>
      %add3A_128 = arith.constant 1.000000e+00 : f32
      %add3A_129 = vector.broadcast %add3A_128 : f32 to vector<256x768xf32>
      %add3A_130 = arith.addf %add3A_129, %erf3A : vector<256x768xf32>
      %mul3A_131 = arith.mulf %mul3A_124, %add3A_130 : vector<256x768xf32>
      %convert_element_type3A_132 = arith.truncf %mul3A_131 : vector<256x768xf32> to vector<256x768xbf16>
      %dot_general3A_133 = arith.constant dense<0.000000e+00> : vector<256x768xf32>
      %dot_general3A_134 = tpu.matmul %convert_element_type3A_132, %convert_element_type3A_90, %dot_general3A_133 {dimension_numbers = #tpu.dot_dimension_numbers<[1], [0], [0], [1], [0, 0, 1, 1], [], []>, transpose_lhs_hint = false} : vector<256x768xbf16>, vector<768x768xbf16>, vector<256x768xf32> -> vector<256x768xf32>
      %add3A_135 = vector.broadcast %get3A_100 : vector<1x768xf32> to vector<256x768xf32>
      %add3A_136 = arith.addf %dot_general3A_134, %add3A_135 : vector<256x768xf32>
      %iota3A = tpu.iota {dimensions = array<i32: 0>} : vector<256x1xi32>
      %add3A_137 = vector.broadcast %min3A_114 : i32 to vector<256x1xi32>
      %add3A_138 = arith.addi %add3A_137, %iota3A : vector<256x1xi32>
      %ge3A = vector.broadcast %get3A_28 : i32 to vector<256x1xi32>
      %ge3A_139 = arith.cmpi sge, %add3A_138, %ge3A : vector<256x1xi32>
      %lt3A_140 = vector.broadcast %get3A_30 : i32 to vector<256x1xi32>
      %lt3A_141 = arith.cmpi slt, %add3A_138, %lt3A_140 : vector<256x1xi32>
      %and3A_142 = arith.andi %ge3A_139, %lt3A_141 : vector<256x1xi1>
      %get3A_143 = arith.index_cast %min3A_114 : i32 to index
      %get3A_144 = arith.constant 0 : index
      %get3A_145 = vector.load %arg8[%get3A_143, %get3A_144] : memref<2048x768xf32, #tpu.memory_space<vmem>>, vector<256x768xf32>
      %broadcast_in_dim3A = vector.shape_cast %and3A_142 : vector<256x1xi1> to vector<256x1xi1>
      %broadcast_in_dim3A_146 = vector.broadcast %broadcast_in_dim3A : vector<256x1xi1> to vector<256x768xi1>
      %select_n3A_147 = arith.select %broadcast_in_dim3A_146, %add3A_136, %get3A_145 : vector<256x768xi1>, vector<256x768xf32>
      %swap3A = arith.index_cast %min3A_114 : i32 to index
      %swap3A_148 = arith.constant 0 : index
      %swap3A_149 = vector.load %arg8[%swap3A, %swap3A_148] : memref<2048x768xf32, #tpu.memory_space<vmem>>, vector<256x768xf32>
      tpu.vector_store %arg8[%swap3A, %swap3A_148], %select_n3A_147 {strides = array<i32>} : memref<2048x768xf32, #tpu.memory_space<vmem>>, vector<256x768xf32>,
    }
    %while3A_109 = arith.constant 1 : i32
    scf.for %while3A_110 = %while3A_107 to %while3A_103 step %while3A_109  : i32 {
      %mul3A_111 = arith.constant 256 : i32
      %mul3A_112 = arith.muli %while3A_110, %mul3A_111 : i32
      %add3A_113 = arith.addi %mul3A_49, %mul3A_112 : i32
      %min3A = arith.constant 1792 : i32
      %min3A_114 = arith.minsi %add3A_113, %min3A : i32
      %get3A_115 = arith.index_cast %min3A_114 : i32 to index
      %get3A_116 = arith.constant 0 : index
      %get3A_117 = vector.load %arg3[%get3A_115, %get3A_116] : memref<2048x768xf32, #tpu.memory_space<vmem>>, vector<256x768xf32>
      %convert_element_type3A_118 = arith.truncf %get3A_117 : vector<256x768xf32> to vector<256x768xbf16>
      %dot_general3A = arith.constant dense<0.000000e+00> : vector<256x768xf32>
      %dot_general3A_119 = tpu.matmul %convert_element_type3A_118, %convert_element_type3A_84, %dot_general3A {dimension_numbers = #tpu.dot_dimension_numbers<[1], [0], [0], [1], [0, 0, 1, 1], [], []>, transpose_lhs_hint = false} : vector<256x768xbf16>, vector<768x768xbf16>, vector<256x768xf32> -> vector<256x768xf32>
      %add3A_120 = vector.broadcast %get3A_95 : vector<1x768xf32> to vector<256x768xf32>
      %add3A_121 = arith.addf %dot_general3A_119, %add3A_120 : vector<256x768xf32>
      %mul3A_122 = arith.constant 5.000000e-01 : f32
      %mul3A_123 = vector.broadcast %mul3A_122 : f32 to vector<256x768xf32>
      %mul3A_124 = arith.mulf %mul3A_123, %add3A_121 : vector<256x768xf32>
      %mul3A_125 = arith.constant 0.707106769 : f32
      %mul3A_126 = vector.broadcast %mul3A_125 : f32 to vector<256x768xf32>
      %mul3A_127 = arith.mulf %add3A_121, %mul3A_126 : vector<256x768xf32>
      %erf3A = math.erf %mul3A_127 : vector<256x768xf32>
      %add3A_128 = arith.constant 1.000000e+00 : f32
      %add3A_129 = vector.broadcast %add3A_128 : f32 to vector<256x768xf32>
      %add3A_130 = arith.addf %add3A_129, %erf3A : vector<256x768xf32>
      %mul3A_131 = arith.mulf %mul3A_124, %add3A_130 : vector<256x768xf32>
      %convert_element_type3A_132 = arith.truncf %mul3A_131 : vector<256x768xf32> to vector<256x768xbf16>
      %dot_general3A_133 = arith.constant dense<0.000000e+00> : vector<256x768xf32>
      %dot_general3A_134 = tpu.matmul %convert_element_type3A_132, %convert_element_type3A_90, %dot_general3A_133 {dimension_numbers = #tpu.dot_dimension_numbers<[1], [0], [0], [1], [0, 0, 1, 1], [], []>, transpose_lhs_hint = false} : vector<256x768xbf16>, vector<768x768xbf16>, vector<256x768xf32> -> vector<256x768xf32>
      %add3A_135 = vector.broadcast %get3A_100 : vector<1x768xf32> to vector<256x768xf32>
      %add3A_136 = arith.addf %dot_general3A_134, %add3A_135 : vector<256x768xf32>
      %iota3A = tpu.iota {dimensions = array<i32: 0>} : vector<256x1xi32>
      %add3A_137 = vector.broadcast %min3A_114 : i32 to vector<256x1xi32>
      %add3A_138 = arith.addi %add3A_137, %iota3A : vector<256x1xi32>
      %ge3A = vector.broadcast %get3A_28 : i32 to vector<256x1xi32>
      %ge3A_139 = arith.cmpi sge, %add3A_138, %ge3A : vector<256x1xi32>
      %lt3A_140 = vector.broadcast %get3A_30 : i32 to vector<256x1xi32>
      %lt3A_141 = arith.cmpi slt, %add3A_138, %lt3A_140 : vector<256x1xi32>
      %and3A_142 = arith.andi %ge3A_139, %lt3A_141 : vector<256x1xi1>
      %get3A_143 = arith.index_cast %min3A_114 : i32 to index
      %get3A_144 = arith.constant 0 : index
      %get3A_145 = vector.load %arg8[%get3A_143, %get3A_144] : memref<2048x768xf32, #tpu.memory_space<vmem>>, vector<256x768xf32>
      %broadcast_in_dim3A = vector.shape_cast %and3A_142 : vector<256x1xi1> to vector<256x1xi1>
      %broadcast_in_dim3A_146 = vector.broadcast %broadcast_in_dim3A : vector<256x1xi1> to vector<256x768xi1>
      %select_n3A_147 = arith.select %broadcast_in_dim3A_146, %add3A_136, %get3A_145 : vector<256x768xi1>, vector<256x768xf32>
      %swap3A = arith.index_cast %min3A_114 : i32 to index
      %swap3A_148 = arith.constant 0 : index
      %swap3A_149 = vector.load %arg8[%swap3A, %swap3A_148] : memref<2048x768xf32, #tpu.memory_space<vmem>>, vector<256x768xf32>
      tpu.vector_store %arg8[%swap3A, %swap3A_148], %select_n3A_147 {strides = array<i32>} : memref<2048x768xf32, #tpu.memory_space<vmem>>, vector<256x768xf32>,
    }
    return
  }
  func.func @transform_0(%arg0: i32, %arg1: memref<64xi32, #tpu.memory_space<smem>>, %arg2: memref<64xi32, #tpu.memory_space<smem>>) -> (i32, i32) {
    %c0_i32 = arith.constant 0 : i32
    %c0_i32_0 = arith.constant 0 : i32
    %c0_i32_1 = arith.constant 0 : i32
    return %c0_i32, %c0_i32_0 : i32, i32
  }
  func.func @transform_2(%arg0: i32, %arg1: memref<64xi32, #tpu.memory_space<smem>>, %arg2: memref<64xi32, #tpu.memory_space<smem>>) -> (i32, i32, i32) {
    %c0_i32 = arith.constant 0 : i32
    %c0_i32_0 = arith.constant 0 : i32
    %c0_i32_1 = arith.constant 0 : i32
    %c0_i32_2 = arith.constant 0 : i32
    return %c0_i32, %c0_i32_0, %c0_i32_1 : i32, i32, i32
  }
  func.func @transform_4(%arg0: i32, %arg1: memref<64xi32, #tpu.memory_space<smem>>, %arg2: memref<64xi32, #tpu.memory_space<smem>>) -> (i32, i32, i32) {
    %c0_i32 = arith.constant 0 : i32
    %c0_i32_0 = arith.constant 0 : i32
    %c0_i32_1 = arith.constant 0 : i32
    %c0_i32_2 = arith.constant 0 : i32
    return %c0_i32, %c0_i32_0, %c0_i32_1 : i32, i32, i32
  }
  func.func @transform_5(%arg0: i32, %arg1: memref<64xi32, #tpu.memory_space<smem>>, %arg2: memref<64xi32, #tpu.memory_space<smem>>) -> (i32, i32) {
    %c0_i32 = arith.constant 0 : i32
    %c0_i32_0 = arith.constant 0 : i32
    %c0_i32_1 = arith.constant 0 : i32
    return %c0_i32, %c0_i32_0 : i32, i32
  }
}

</mosaic_0001>

<sc_bundles>
// kernel: kernel.6.cloned.1.call-start
scs
__scs_entry_jumppad:
0x0: {  	(pc) =	sbr.rel $0x88, $3  }
0x1: {  	(tag) =	ssettag $0x0;
	lr =	simm.s32 $0x1  }
0x2: {  	[smem:$0x3F9A] =	sst lr;
	_ =	strace $0xD0000000  }
0x3: {  	_ = 	snop  }
0x4: {  	_ = 	snop  }
0x5: {  	_ = 	snop  }
0x6: {  	_ = 	snop  }
0x7: {  	_ = 	snop  }
__scs_overlays_trampoline_lowered:
0x8: {  	[smem:$0x3FA9] =	sst s0  }
0x9: {  	[smem:$0x3FAA] =	sst s1  }
0xa: {  	[smem:$0x3FAB] =	sst s2  }
0xb: {  	[smem:$0x3FAC] =	sst s3  }
0xc: {  	[smem:$0x3FAD] =	sst s4  }
0xd: {  	[smem:$0x3FAE] =	sst s5  }
0xe: {  	[smem:$0x3FAF] =	sst s6  }
0xf: {  	[smem:$0x3FB0] =	sst s7  }
0x10: {  	[smem:$0x3FB1] =	sst s8  }
0x11: {  	[smem:$0x3FB2] =	sst s9;
	s0 =	simm.s32 @!p0 $0x0  }
0x12: {  	s1 =	sld [smem:$0x3F98];
	s0 =	simm.s32 @p0 $0x1  }
0x13: {  	[smem:$0x3FB3] =	sst s0;
	s0 =	simm.s32 @!p1 $0x0  }
0x14: {  	s2 =	sld [smem:$0x3F97];
	s0 =	simm.s32 @p1 $0x1  }
0x15: {  	[smem:$0x3FB4] =	sst s0;
	s0 =	simm.s32 @!p2 $0x0  }
0x16: {  	s3 =	sld [smem:$0x3FDB];
	s0 =	simm.s32 @p2 $0x1  }
0x17: {  	s4 =	simm.s32 $0x1BF5;
	[smem:$0x3FB6] =	sst s0  }
0x18: {  	s0 =	sld [smem:$0x3F99];
	_ =	swait.ge [sflag:s4], $0x0  }
0x19: {  	s7 =	sld [smem:$0x3F9A]  }
0x1a: {  	s8 =	sadd.s32 $0xFFFFE003, lr  }
0x1b: {  	s9 =	sadd.s32 $0xFFFFFEF7, lr;
	s5 =	simm.s32 $0xFFFFFFFF;
	p2 =	slt.u32 s8, $0xFFFFF086  }
0x1c: {  	p1 =	slt.u32 s9, $0xF7A;
	s5 =	simm.s32 @!p2 $0x0  }
0x1d: {  	s5 =	simm.s32 @p1 $0x1;
	p0 =	seq.s32 s7, s2  }
0x1e: {  	s7 =	smul.u32 @!p0 $0xF7A, s2;
	p2 =	seq.s32 @!p0 s5, $0x0  }
0x1f: {  	s9 =	smul.u32 $0xF7A, s1;
	s8 =	simm.s32 @!p0 $0x1BF5;
	p2 =	por !p2, p0  }
0x20: {  	[sflag:s8] =	ssyncset.s32 @!p0 $0xFFFFF086;
	s6 =	sadd.s32 @!p0 s3, s7;
	s7 =	simm.s32 @!p0 $0x108  }
0x21: {  	s3 =	sadd.s32 s3, s9;
	s6 =	sadd.s32 @!p0 $0x88, s6;
	s7 =	simm.s32 @p2 $0x1082  }
0x22: {  	[simem:s7], [sflag:s8] =	dma.local @!p0 [hbm:s6], $0xF7A  }
0x23: {  	s9 =	sor.u32 $0xD0000000, s2;
	s6 =	simm.s32 $0x108;
	_ =	swait.ge @!p0 [sflag:s8], $0x0  }
0x24: {  	s3 =	sadd.s32 $0x88, s3;
	s6 =	simm.s32 @!p1 $0x1082;
	[sflag:s4] =	ssyncset.s32 $0xFFFFF086  }
0x25: {  	[simem:s6], [sflag:s4] =	dma.local [hbm:s3], $0xF7A  }
0x26: {  	[smem:$0x3F9A] =	sst s1;
	(tag) =	ssettag s2;
	_ =	strace s9  }
0x27: {  	s1 =	sld [smem:$0x3FAA]  }
0x28: {  	s2 =	sld [smem:$0x3FAB]  }
0x29: {  	s4 =	sld [smem:$0x3FAD]  }
0x2a: {  	p0 =	seq.s32 s5, $0x0;
	s5 =	sld [smem:$0x3FAE]  }
0x2b: {  	s6 =	sld [smem:$0x3FAF]  }
0x2c: {  	s7 =	sld [smem:$0x3FB0]  }
0x2d: {  	s3 =	simm.s32 $0x108;
	s8 =	sld [smem:$0x3FB1]  }
0x2e: {  	s3 =	simm.s32 @!p0 $0x1082;
	s9 =	sld [smem:$0x3FB2]  }
0x2f: {  	lr =	sadd.s32 s0, s3;
	s0 =	sld [smem:$0x3FA9]  }
0x30: {  	s3 =	sld [smem:$0x3FAC]  }
0x31: {  	[smem:$0x3FB5] =	sst s10  }
0x32: {  	s10 =	sld [smem:$0x3FB3];
	_ =	sdelay $0x3  }
0x33: {  	p0 =	seq.s32 s10, $0x1;
	s10 =	sld [smem:$0x3FB5];
	_ =	sdelay $0x3  }
0x34: {  	[smem:$0x3FB5] =	sst s10  }
0x35: {  	s10 =	sld [smem:$0x3FB4];
	_ =	sdelay $0x3  }
0x36: {  	p1 =	seq.s32 s10, $0x1;
	s10 =	sld [smem:$0x3FB5];
	_ =	sdelay $0x3  }
0x37: {  	[smem:$0x3FB5] =	sst s10  }
0x38: {  	s10 =	sld [smem:$0x3FB6]  }
0x39: {  	_ = 	snop;
	(pc) =	sbr.ind lr, $3  }
0x3a: {  	_ = 	snop  }
0x3b: {  	_ = 	snop  }
0x3c: {  	p2 =	seq.s32 s10, $0x1;
	s10 =	sld [smem:$0x3FB5]  }
0x3d: {  	_ =	shalt  }
0x3e: {  	_ =	shalt  }
0x3f: {  	_ =	shalt  }
0x40: {  	_ =	shalt  }
0x41: {  	_ =	shalt  }
0x42: {  	_ =	shalt  }
0x43: {  	_ =	shalt  }
0x44: {  	_ =	shalt  }
0x45: {  	_ =	shalt  }
0x46: {  	_ =	shalt  }
0x47: {  	_ =	shalt  }
0x48: {  	_ =	shalt  }
0x49: {  	_ =	shalt  }
0x4a: {  	_ =	shalt  }
0x4b: {  	_ =	shalt  }
0x4c: {  	_ =	shalt  }
0x4d: {  	_ =	shalt  }
0x4e: {  	_ =	shalt  }
0x4f: {  	_ =	shalt  }
0x50: {  	_ =	shalt  }
0x51: {  	_ =	shalt  }
0x52: {  	_ =	shalt  }
0x53: {  	_ =	shalt  }
0x54: {  	_ =	shalt  }
0x55: {  	_ =	shalt  }
0x56: {  	_ =	shalt  }
0x57: {  	_ =	shalt  }
0x58: {  	_ =	shalt  }
0x59: {  	_ =	shalt  }
0x5a: {  	_ =	shalt  }
0x5b: {  	_ =	shalt  }
0x5c: {  	_ =	shalt  }
0x5d: {  	_ =	shalt  }
0x5e: {  	_ =	shalt  }
0x5f: {  	_ =	shalt  }
0x60: {  	_ =	shalt  }
0x61: {  	_ =	shalt  }
0x62: {  	_ =	shalt  }
0x63: {  	_ =	shalt  }
0x64: {  	_ =	shalt  }
0x65: {  	_ =	shalt  }
0x66: {  	_ =	shalt  }
0x67: {  	_ =	shalt  }
0x68: {  	_ =	shalt  }
0x69: {  	_ =	shalt  }
0x6a: {  	_ =	shalt  }
0x6b: {  	_ =	shalt  }
0x6c: {  	_ =	shalt  }
0x6d: {  	_ =	shalt  }
0x6e: {  	_ =	shalt  }
0x6f: {  	_ =	shalt  }
0x70: {  	_ =	shalt  }
0x71: {  	_ =	shalt  }
0x72: {  	_ =	shalt  }
0x73: {  	_ =	shalt  }
0x74: {  	_ =	shalt  }
0x75: {  	_ =	shalt  }
0x76: {  	_ =	shalt  }
0x77: {  	_ =	shalt  }
0x78: {  	_ =	shalt  }
0x79: {  	_ =	shalt  }
0x7a: {  	_ =	shalt  }
0x7b: {  	_ =	shalt  }
0x7c: {  	_ =	shalt  }
0x7d: {  	_ =	shalt  }
0x7e: {  	_ =	shalt  }
0x7f: {  	_ =	shalt  }
0x80: {  	_ =	shalt  }
0x81: {  	_ =	shalt  }
0x82: {  	_ =	shalt  }
0x83: {  	_ =	shalt  }
0x84: {  	_ =	shalt  }
0x85: {  	_ =	shalt  }
0x86: {  	_ =	shalt  }
0x87: {  	_ =	shalt  }
.Lfunc_end0:
.L_simem_size_0:
called_computation_lowered:
.L_overlay_start_0:
0x88: {  	s2 =	sld [smem:$0x3FD9]  }
0x89: {  	s3 =	sld [smem:$0x3FFE];
	_ =	sdelay $0x1  }
0x8a: {  	s1 =	srdreg.scid  }
0x8b: {  	s0 =	sand.u32 $0x1, s1  }
0x8c: {  	s17 =	sshll.u32 s0, $0xA;
	s2 =	sadd.s32 s3, s2  }
0x8d: {  	s2 =	sadd.s32 s2, s17  }
0x8e: {  	[smem:$0x3FC1] =	sst s2  }
0x8f: {  	_ = 	snop  }
0x90: {  	s2 =	sld [smem:$0x3FC9]  }
0x91: {  	s18 =	sld [smem:$0x3FD0];
	(tm) =	ssettm $0x1  }
0x92: {  	s4 =	sld [smem:$0x3FFB];
	_ =	sdelay $0x3  }
0x93: {  	_ =	strace s4  }
0x94: {  	s4 =	sld [smem:$0x3FFC];
	_ =	sdelay $0x3  }
0x95: {  	_ =	strace s4  }
0x96: {  	s4 =	sld [smem:$0x3FFD];
	_ =	sdelay $0x3  }
0x97: {  	_ =	strace s4  }
0x98: {  	_ =	strace $0x8FFFFFFF  }
0x99: {  	s19 =	sld [smem:$0x3FDB];
	_ =	sdelay $0x1  }
0x9a: {  	s5 =	simm.s32 $_scs_section_size  }
0x9b: {  	s6 =	simm.s32 $_size__tile_overlayer_lowered;
	s7 =	simm.s32 $_tile_overlayer_lowered  }
0x9c: {  	s22 =	simm.s32 $0x1BFF;
	s21 =	sshll.u32 s7, $0x1;
	s4 =	sadd.s32 s5, s19  }
0x9d: {  	s8 =	simm.s32 $0x0;
	s20 =	sshll.u32 s6, $0x1;
	s6 =	sadd.s32 s21, s4  }
0x9e: {  	[timem:s8], [sflag:s22] =	dma.local [hbm:s6], s20  }
0x9f: {  	_ =	swait.ge [sflag:s22], s20  }
0xa0: {  	s5 =	ssub.s32 $0x0, s20;
	[sflag:s22] =	ssyncset.done $0x0  }
0xa1: {  	[sflag:s22] =	ssyncadd.s32 s5;
	_ =	sdelay $0x1  }
0xa2: {  	s23 =	simm.s32 $0x1B8B  }
0xa3: {  	_ =	swait.ge [sflag:s23], $0x1  }
0xa4: {  	[sflag:s23] =	ssyncset.done $0x0  }
0xa5: {  	s25 =	simm.s32 $0x1B8E;
	s24 =	sld [smem:$0x3FFE];
	[sflag:s23] =	ssyncadd.s32 $0xFFFFFFFF  }
0xa6: {  	s26 =	simm.s32 $execute0_lowered;
	[smem:$0x3FD2] =	sst s25  }
0xa7: {  	s6 =	sshll.u32 s26, $0x1;
	_ =	strace $0x80000046;
	[dreg:$0x1] =	wrdreg $0xFFFFFFFF  }
0xa8: {  	s28 =	simm.s32 $_size_execute0_lowered;
	s4 =	sadd.s32 s4, s6;
	[dreg:$0x0] =	wrdreg $0x0  }
0xa9: {  	s6 =	sshll.u32 s28, $0x1;
	[dreg:$0x2] =	wrdreg s4  }
0xaa: {  	[dreg:$0x3] =	wrdreg s6  }
0xab: {  	[dreg:$0x4] =	wrdreg $0xC0  }
0xac: {  	_ =	task [dreg:s8], $0x5FFFF  }
0xad: {  	[dreg:$0x1] =	wrdreg $0xFFFFFFFF  }
0xae: {  	[dreg:$0x0] =	wrdreg $0x60  }
0xaf: {  	[dreg:$0x2] =	wrdreg s2  }
0xb0: {  	[dreg:$0x3] =	wrdreg s24  }
0xb1: {  	[dreg:$0x4] =	wrdreg s18  }
0xb2: {  	[dreg:$0x5] =	wrdreg $0x9  }
0xb3: {  	_ =	task.clear_ibuf [dreg:s8], $0x6FFFF;
	_ =	strace $0x90000046  }
0xb4: {  	s29 =	simm.s32 $0x9;
	_ =	strace $0x80000048  }
0xb5: {  	_ =	swait.ge [sflag:s29], $0x1  }
0xb6: {  	[sflag:s29] =	ssyncadd.s32 $0xFFFFFFFF  }
0xb7: {  	_ =	strace $0x90000048  }
0xb8: {  	_ =	sfence  }
0xb9: {  	s30 =	sld [smem:$0x0];
	_ =	sdelay $0x2  }
0xba: {  	s31 =	sshll.u32 s1, $0xD;
	s1 =	sshrl.u32 s1, $0x2  }
0xbb: {  	s3 =	sand.u32 $0x4000, s31;
	s1 =	sadd.s32 s1, s30  }
0xbc: {  	s0 =	sor.u32 s3, s0;
	s1 =	sshll.u32 s1, $0x11  }
0xbd: {  	s0 =	sor.u32 s1, s0  }
0xbe: {  	s0 =	sadd.s32 $0x8F2B, s0  }
0xbf: {  	[sflag:s0] =	ssyncadd.remote.s32 $0x1  }
0xc0: {  	_ =	sfence.sel $0xFFFF  }
0xc1: {  	[dreg:$0x0] =	wrdreg $0xFFFFFFFF;
	(pc) =	sbr.abs _section_cstart, $3  }
0xc2: {  	[dreg:$0x1] =	wrdreg $0xFFFFFFFF  }
0xc3: {  	_ =	task.clear_ibuf [dreg:s8], $0x2FFFF;
	_ =	strace $0x9FFFFFFF  }
0xc4: {  	(tm) =	ssettm $0x7FFFFFFF  }
0xc5: {  	_ =	shalt  }
tec
execute0_lowered:
.L_overlay_start_1:
0x0: {  	(tag) =	ssettag $0x1  }
0x1: {  	s1 =	rddreg [dreg:$0x0]  }
0x2: {  	s2 =	srdreg.scid;
	s4 =	rddreg [dreg:$0x1]  }
0x3: {  	s0 =	stileid.u32;
	s3 =	simm.s32 $0x0;
	s8 =	simm.s32 $0x80  }
0x4: {  	s26 =	simm.s32 $0x880;
	s9 =	simm.s32 $0x1080;
	s10 =	simm.s32 $0x1880  }
0x5: {  	s11 =	simm.s32 $0x2080;
	s12 =	simm.s32 $0x2880;
	s13 =	simm.s32 $0x3080  }
0x6: {  	s14 =	simm.s32 $0x3880;
	s15 =	simm.s32 $0x4080;
	s16 =	simm.s32 $0x4880  }
0x7: {  	s17 =	simm.s32 $0x5080;
	s18 =	simm.s32 $0x5880;
	s19 =	simm.s32 $0x6080  }
0x8: {  	s20 =	simm.s32 $0x6880;
	s21 =	simm.s32 $0x7080;
	s22 =	simm.s32 $0x7880  }
0x9: {  	s23 =	simm.s32 $0x8080;
	s28 =	simm.s32 $0xA080;
	s29 =	simm.s32 $0xA880  }
0xa: {  	s30 =	simm.s32 $0xB080;
	s5 =	sand.u32 $0x1, s2;
	s2 =	rddreg [dreg:$0x2]  }
0xb: {  	s31 =	simm.s32 $0xB880;
	s6 =	sshll.u32 s0, $0x4;
	[smem:$0x7FF] =	sst s3  }
0xc: {  	s7 =	sshll.u32 s5, $0x3;
	_ =	strace $0x80000047;
	s5 =	ssub.s32 $0x2, s5  }
0xd: {  	[dreg:$0x6] =	wrdreg s26;
	s26 =	simm.s32 $0x9880;
	s6 =	sor.u32 s7, s6  }
0xe: {  	s24 =	sshrl.u32 s5, $0x1;
	s7 =	simm.s32 $0x2;
	s4 =	sadd.s32 s6, s4  }
0xf: {  	s6 =	smul.u32 $0x300, s6;
	s25 =	ssub.s32 s5, s24;
	s4 =	sadd.s32 $0x600, s4  }
0x10: {  	v2 =	vlaneseq.u32;
	s5 =	sadd.s32 $0x200, s2;
	s24 =	simm.s32 $0x8880;
	[dreg:$0x4] =	wrdreg s4  }
0x11: {  	vm0 =	vmmov $0xffff;
	v1 =	vshrl.u32 v2, $0x3;
	s1 =	sadd.s32 s1, s6;
	s4 =	sadd.s32 $0x100, s2;
	s6 =	smax.u32 s25, $0x1  }
0x12: {  	v0 =	vand.u32 $0x7, v2;
	v2 =	vor.u32 $0x8, v2;
	v1 =	vmul.u32 $0x8, v1;
	s25 =	simm.s32 $0x9080;
	[dreg:$0x5] =	wrdreg s1;
	s1 =	simm.s32 $0x1  }
.LBB2_1:
0x13: {  	s0 =	rddreg [dreg:$0x4]  }
0x14: {  	[tilespmem:s3], [sflag:$0x2] =	stream.linear.gather [hbm4b:s0+s3], $0x40, $0x38;
	[tilespmem:$0xC080] =	vst v63  }
0x15: {  	_ =	swait.ge [sflag:s7], $0x40  }
0x16: {  	[sflag:s7] =	ssyncset.done $0x0  }
0x17: {  	s0 =	rddreg [dreg:$0x5];
	[sflag:s7] =	ssyncadd.s32 $0xFFFFFFC0  }
0x18: {  	[tilespmem:s8], [sflag:$0x2] =	stream.linear.gather [hbm4b:s0+s3], $0xC000, $0x38;
	[tilespmem:$0xC080] =	vst v63  }
0x19: {  	_ =	swait.ge [sflag:s7], $0xC000  }
0x1a: {  	[sflag:s7] =	ssyncset.done $0x0  }
0x1b: {  	[sflag:s7] =	ssyncadd.s32 $0xFFFF4000  }
0x1c: {  	v3 =	vld [tilespmem:$0x0];
	_ =	sdelay $0x4  }
0x1d: {  	v4 =	vshrl.u32 v3, $0x3  }
0x1e: {  	v4 =	vmul.u32 $0x30, v4  }
0x1f: {  	v3 =	vand.u32 $0x7, v3  }
0x20: {  	v3 =	vor.u32 v3, v4  }
0x21: {  	v4 =	vperm.xlane v3, v0;
	_ =	sdelay $0x1  }
0x22: {  	v4 =	vadd.s32 v1, v4;
	_ =	sdelay $0x3  }
0x23: {  	v3 =	vperm.xlane v3, v2  }
0x24: {  	[hbm4b:s2+s3] =	stream.indirect_vreg.scatter [tilespmem:s8], [sflag:$0x1], $0x80, v4, vm0, $0xb8;
	[tilespmem:$0xC080] =	vst v63  }
0x25: {  	s0 =	rddreg [dreg:$0x6];
	v3 =	vadd.s32 v1, v3  }
0x26: {  	[hbm4b:s4+s3] =	stream.indirect_vreg.scatter [tilespmem:s0], [sflag:$0x1], $0x80, v4, vm0, $0xb8;
	[tilespmem:$0xC080] =	vst v63  }
0x27: {  	_ = 	snop  }
0x28: {  	[hbm4b:s5+s3] =	stream.indirect_vreg.scatter [tilespmem:s9], [sflag:$0x1], $0x80, v4, vm0, $0xb8;
	[tilespmem:$0xC080] =	vst v63  }
0x29: {  	_ = 	snop  }
0x2a: {  	[hbm4b:s2+s3] =	stream.indirect_vreg.scatter [tilespmem:s10], [sflag:$0x1], $0x80, v3, vm0, $0xb8;
	[tilespmem:$0xC080] =	vst v63  }
0x2b: {  	_ = 	snop  }
0x2c: {  	[hbm4b:s4+s3] =	stream.indirect_vreg.scatter [tilespmem:s11], [sflag:$0x1], $0x80, v3, vm0, $0xb8;
	[tilespmem:$0xC080] =	vst v63  }
0x2d: {  	_ = 	snop  }
0x2e: {  	[hbm4b:s5+s3] =	stream.indirect_vreg.scatter [tilespmem:s12], [sflag:$0x1], $0x80, v3, vm0, $0xb8;
	[tilespmem:$0xC080] =	vst v63  }
0x2f: {  	v3 =	vld [tilespmem:$0x10];
	_ =	sdelay $0x4  }
0x30: {  	v61 =	vshrl.u32 v3, $0x3  }
0x31: {  	v4 =	vmul.u32 $0x30, v61  }
0x32: {  	v3 =	vand.u32 $0x7, v3  }
0x33: {  	v3 =	vor.u32 v3, v4  }
0x34: {  	v4 =	vperm.xlane v3, v0;
	_ =	sdelay $0x1  }
0x35: {  	v4 =	vadd.s32 v1, v4;
	_ =	sdelay $0x3  }
0x36: {  	v3 =	vperm.xlane v3, v2  }
0x37: {  	[hbm4b:s2+s3] =	stream.indirect_vreg.scatter [tilespmem:s13], [sflag:$0x1], $0x80, v4, vm0, $0xb8;
	[tilespmem:$0xC080] =	vst v63  }
0x38: {  	v3 =	vadd.s32 v1, v3  }
0x39: {  	[hbm4b:s4+s3] =	stream.indirect_vreg.scatter [tilespmem:s14], [sflag:$0x1], $0x80, v4, vm0, $0xb8;
	[tilespmem:$0xC080] =	vst v63  }
0x3a: {  	_ = 	snop  }
0x3b: {  	[hbm4b:s5+s3] =	stream.indirect_vreg.scatter [tilespmem:s15], [sflag:$0x1], $0x80, v4, vm0, $0xb8;
	[tilespmem:$0xC080] =	vst v63  }
0x3c: {  	_ = 	snop  }
0x3d: {  	[hbm4b:s2+s3] =	stream.indirect_vreg.scatter [tilespmem:s16], [sflag:$0x1], $0x80, v3, vm0, $0xb8;
	[tilespmem:$0xC080] =	vst v63  }
0x3e: {  	_ = 	snop  }
0x3f: {  	[hbm4b:s4+s3] =	stream.indirect_vreg.scatter [tilespmem:s17], [sflag:$0x1], $0x80, v3, vm0, $0xb8;
	[tilespmem:$0xC080] =	vst v63  }
0x40: {  	_ = 	snop  }
0x41: {  	[hbm4b:s5+s3] =	stream.indirect_vreg.scatter [tilespmem:s18], [sflag:$0x1], $0x80, v3, vm0, $0xb8;
	[tilespmem:$0xC080] =	vst v63  }
0x42: {  	v3 =	vld [tilespmem:$0x20];
	_ =	sdelay $0x4  }
0x43: {  	v62 =	vshrl.u32 v3, $0x3  }
0x44: {  	v4 =	vmul.u32 $0x30, v62  }
0x45: {  	v3 =	vand.u32 $0x7, v3  }
0x46: {  	v3 =	vor.u32 v3, v4  }
0x47: {  	v4 =	vperm.xlane v3, v0;
	_ =	sdelay $0x1  }
0x48: {  	v4 =	vadd.s32 v1, v4;
	_ =	sdelay $0x3  }
0x49: {  	v3 =	vperm.xlane v3, v2  }
0x4a: {  	[hbm4b:s2+s3] =	stream.indirect_vreg.scatter [tilespmem:s19], [sflag:$0x1], $0x80, v4, vm0, $0xb8;
	[tilespmem:$0xC080] =	vst v63  }
0x4b: {  	v3 =	vadd.s32 v1, v3  }
0x4c: {  	[hbm4b:s4+s3] =	stream.indirect_vreg.scatter [tilespmem:s20], [sflag:$0x1], $0x80, v4, vm0, $0xb8;
	[tilespmem:$0xC080] =	vst v63  }
0x4d: {  	_ = 	snop  }
0x4e: {  	[hbm4b:s5+s3] =	stream.indirect_vreg.scatter [tilespmem:s21], [sflag:$0x1], $0x80, v4, vm0, $0xb8;
	[tilespmem:$0xC080] =	vst v63  }
0x4f: {  	_ = 	snop  }
0x50: {  	[hbm4b:s2+s3] =	stream.indirect_vreg.scatter [tilespmem:s22], [sflag:$0x1], $0x80, v3, vm0, $0xb8;
	[tilespmem:$0xC080] =	vst v63  }
0x51: {  	_ = 	snop  }
0x52: {  	[hbm4b:s4+s3] =	stream.indirect_vreg.scatter [tilespmem:s23], [sflag:$0x1], $0x80, v3, vm0, $0xb8;
	[tilespmem:$0xC080] =	vst v63  }
0x53: {  	_ = 	snop  }
0x54: {  	[hbm4b:s5+s3] =	stream.indirect_vreg.scatter [tilespmem:s24], [sflag:$0x1], $0x80, v3, vm0, $0xb8;
	[tilespmem:$0xC080] =	vst v63  }
0x55: {  	v3 =	vld [tilespmem:$0x30];
	_ =	sdelay $0x4  }
0x56: {  	v63 =	vshrl.u32 v3, $0x3  }
0x57: {  	v4 =	vmul.u32 $0x30, v63  }
0x58: {  	v3 =	vand.u32 $0x7, v3  }
0x59: {  	v3 =	vor.u32 v3, v4  }
0x5a: {  	v4 =	vperm.xlane v3, v0;
	_ =	sdelay $0x1  }
0x5b: {  	v4 =	vadd.s32 v1, v4;
	_ =	sdelay $0x3  }
0x5c: {  	v3 =	vperm.xlane v3, v2  }
0x5d: {  	[hbm4b:s2+s3] =	stream.indirect_vreg.scatter [tilespmem:s25], [sflag:$0x1], $0x80, v4, vm0, $0xb8;
	[tilespmem:$0xC080] =	vst v63  }
0x5e: {  	v3 =	vadd.s32 v1, v3  }
0x5f: {  	[hbm4b:s4+s3] =	stream.indirect_vreg.scatter [tilespmem:s26], [sflag:$0x1], $0x80, v4, vm0, $0xb8;
	[tilespmem:$0xC080] =	vst v63  }
0x60: {  	_ = 	snop  }
0x61: {  	[hbm4b:s5+s3] =	stream.indirect_vreg.scatter [tilespmem:s28], [sflag:$0x1], $0x80, v4, vm0, $0xb8;
	[tilespmem:$0xC080] =	vst v63  }
0x62: {  	_ = 	snop  }
0x63: {  	[hbm4b:s2+s3] =	stream.indirect_vreg.scatter [tilespmem:s29], [sflag:$0x1], $0x80, v3, vm0, $0xb8;
	[tilespmem:$0xC080] =	vst v63  }
0x64: {  	p0 =	sne.s32 s6, $0x1  }
0x65: {  	[hbm4b:s4+s3] =	stream.indirect_vreg.scatter [tilespmem:s30], [sflag:$0x1], $0x80, v3, vm0, $0xb8;
	[tilespmem:$0xC080] =	vst v63  }
.Ltmp0:
0x66: {  	_ = 	snop;
	(pc) =	sbr.rel @p0 .LBB2_1-.Ltmp0, $4  }
0x67: {  	[hbm4b:s5+s3] =	stream.indirect_vreg.scatter [tilespmem:s31], [sflag:$0x1], $0x80, v3, vm0, $0xb8;
	[tilespmem:$0xC080] =	vst v63  }
0x68: {  	_ =	swait.ge [sflag:s1], $0xC000  }
0x69: {  	[sflag:s1] =	ssyncset.done $0x0  }
0x6a: {  	s6 =	sadd.s32 $0xFFFFFFFF, s6;
	[sflag:s1] =	ssyncadd.s32 $0xFFFF4000  }
0x6b: {  	_ =	sfence.sel $0x180000  }
0x6c: {  	[bflag:$0x0] =	sbarrier.arrive $0xFFFF  }
0x6d: {  	_ =	strace $0x90000047  }
0x6e: {  	s0 =	stileid.u32;
	[bflag:$0x2] =	sbarrier.arrive $0xFFFF  }
0x6f: {  	p0 =	sne.s32 s0, $0x0;
	s0 =	rddreg [dreg:$0x3]  }
0x70: {  	s0 =	sadd.s32 @!p0 $0x100000, s0  }
0x71: {  	[sflag:s0] =	ssyncadd.tile.s32 @!p0 $0x1;
	_ =	shalt  }
.Lfunc_end2:
_tile_overlayer_lowered:
.L_overlay_start_2:
0x72: {  	(tag) =	ssettag $0x2  }
0x73: {  	s0 =	rddreg [dreg:$0x0];
	s2 =	stileid.u32  }
0x74: {  	s1 =	rddreg [dreg:$0x1];
	p0 =	sne.s32 s2, $0x0  }
0x75: {  	s3 =	rddreg [dreg:$0x2];
	[bflag:$0x3] =	sbarrier.arrive $0xFFFF;
	s2 =	simm.s32 @!p0 $0x1C02  }
0x76: {  	[timem:s3], [sflag:s2] =	dma.local @!p0 [hbm:s0], s1  }
0x77: {  	s0 =	simm.s32 @!p0 $0x2  }
0x78: {  	_ =	swait.ge @!p0 [sflag:s0], s1  }
0x79: {  	s1 =	ssub.s32 @!p0 $0x0, s1;
	[sflag:s0] =	ssyncset.done @!p0 $0x0  }
0x7a: {  	[sflag:s0] =	ssyncadd.s32 @!p0 s1  }
0x7b: {  	[bflag:$0x3] =	sbarrier.arrive $0xFFFF  }
0x7c: {  	_ =	shalt  }

// kernel: kernel.9.cloned.1.call-start
scs
__scs_entry_jumppad:
0x0: {  	(pc) =	sbr.rel $0x88, $3  }
0x1: {  	(tag) =	ssettag $0x0;
	lr =	simm.s32 $0x1  }
0x2: {  	[smem:$0x3F9A] =	sst lr;
	_ =	strace $0xD0000000  }
0x3: {  	_ = 	snop  }
0x4: {  	_ = 	snop  }
0x5: {  	_ = 	snop  }
0x6: {  	_ = 	snop  }
0x7: {  	_ = 	snop  }
__scs_overlays_trampoline_lowered:
0x8: {  	[smem:$0x3FA9] =	sst s0  }
0x9: {  	[smem:$0x3FAA] =	sst s1  }
0xa: {  	[smem:$0x3FAB] =	sst s2  }
0xb: {  	[smem:$0x3FAC] =	sst s3  }
0xc: {  	[smem:$0x3FAD] =	sst s4  }
0xd: {  	[smem:$0x3FAE] =	sst s5  }
0xe: {  	[smem:$0x3FAF] =	sst s6  }
0xf: {  	[smem:$0x3FB0] =	sst s7  }
0x10: {  	[smem:$0x3FB1] =	sst s8  }
0x11: {  	[smem:$0x3FB2] =	sst s9;
	s0 =	simm.s32 @!p0 $0x0  }
0x12: {  	s1 =	sld [smem:$0x3F98];
	s0 =	simm.s32 @p0 $0x1  }
0x13: {  	[smem:$0x3FB3] =	sst s0;
	s0 =	simm.s32 @!p1 $0x0  }
0x14: {  	s2 =	sld [smem:$0x3F97];
	s0 =	simm.s32 @p1 $0x1  }
0x15: {  	[smem:$0x3FB4] =	sst s0;
	s0 =	simm.s32 @!p2 $0x0  }
0x16: {  	s3 =	sld [smem:$0x3FDB];
	s0 =	simm.s32 @p2 $0x1  }
0x17: {  	s4 =	simm.s32 $0x1BF5;
	[smem:$0x3FB6] =	sst s0  }
0x18: {  	s0 =	sld [smem:$0x3F99];
	_ =	swait.ge [sflag:s4], $0x0  }
0x19: {  	s7 =	sld [smem:$0x3F9A]  }
0x1a: {  	s8 =	sadd.s32 $0xFFFFE003, lr  }
0x1b: {  	s9 =	sadd.s32 $0xFFFFFEF7, lr;
	s5 =	simm.s32 $0xFFFFFFFF;
	p2 =	slt.u32 s8, $0xFFFFF086  }
0x1c: {  	p1 =	slt.u32 s9, $0xF7A;
	s5 =	simm.s32 @!p2 $0x0  }
0x1d: {  	s5 =	simm.s32 @p1 $0x1;
	p0 =	seq.s32 s7, s2  }
0x1e: {  	s7 =	smul.u32 @!p0 $0xF7A, s2;
	p2 =	seq.s32 @!p0 s5, $0x0  }
0x1f: {  	s9 =	smul.u32 $0xF7A, s1;
	s8 =	simm.s32 @!p0 $0x1BF5;
	p2 =	por !p2, p0  }
0x20: {  	[sflag:s8] =	ssyncset.s32 @!p0 $0xFFFFF086;
	s6 =	sadd.s32 @!p0 s3, s7;
	s7 =	simm.s32 @!p0 $0x108  }
0x21: {  	s3 =	sadd.s32 s3, s9;
	s6 =	sadd.s32 @!p0 $0x88, s6;
	s7 =	simm.s32 @p2 $0x1082  }
0x22: {  	[simem:s7], [sflag:s8] =	dma.local @!p0 [hbm:s6], $0xF7A  }
0x23: {  	s9 =	sor.u32 $0xD0000000, s2;
	s6 =	simm.s32 $0x108;
	_ =	swait.ge @!p0 [sflag:s8], $0x0  }
0x24: {  	s3 =	sadd.s32 $0x88, s3;
	s6 =	simm.s32 @!p1 $0x1082;
	[sflag:s4] =	ssyncset.s32 $0xFFFFF086  }
0x25: {  	[simem:s6], [sflag:s4] =	dma.local [hbm:s3], $0xF7A  }
0x26: {  	[smem:$0x3F9A] =	sst s1;
	(tag) =	ssettag s2;
	_ =	strace s9  }
0x27: {  	s1 =	sld [smem:$0x3FAA]  }
0x28: {  	s2 =	sld [smem:$0x3FAB]  }
0x29: {  	s4 =	sld [smem:$0x3FAD]  }
0x2a: {  	p0 =	seq.s32 s5, $0x0;
	s5 =	sld [smem:$0x3FAE]  }
0x2b: {  	s6 =	sld [smem:$0x3FAF]  }
0x2c: {  	s7 =	sld [smem:$0x3FB0]  }
0x2d: {  	s3 =	simm.s32 $0x108;
	s8 =	sld [smem:$0x3FB1]  }
0x2e: {  	s3 =	simm.s32 @!p0 $0x1082;
	s9 =	sld [smem:$0x3FB2]  }
0x2f: {  	lr =	sadd.s32 s0, s3;
	s0 =	sld [smem:$0x3FA9]  }
0x30: {  	s3 =	sld [smem:$0x3FAC]  }
0x31: {  	[smem:$0x3FB5] =	sst s10  }
0x32: {  	s10 =	sld [smem:$0x3FB3];
	_ =	sdelay $0x3  }
0x33: {  	p0 =	seq.s32 s10, $0x1;
	s10 =	sld [smem:$0x3FB5];
	_ =	sdelay $0x3  }
0x34: {  	[smem:$0x3FB5] =	sst s10  }
0x35: {  	s10 =	sld [smem:$0x3FB4];
	_ =	sdelay $0x3  }
0x36: {  	p1 =	seq.s32 s10, $0x1;
	s10 =	sld [smem:$0x3FB5];
	_ =	sdelay $0x3  }
0x37: {  	[smem:$0x3FB5] =	sst s10  }
0x38: {  	s10 =	sld [smem:$0x3FB6]  }
0x39: {  	_ = 	snop;
	(pc) =	sbr.ind lr, $3  }
0x3a: {  	_ = 	snop  }
0x3b: {  	_ = 	snop  }
0x3c: {  	p2 =	seq.s32 s10, $0x1;
	s10 =	sld [smem:$0x3FB5]  }
0x3d: {  	_ =	shalt  }
0x3e: {  	_ =	shalt  }
0x3f: {  	_ =	shalt  }
0x40: {  	_ =	shalt  }
0x41: {  	_ =	shalt  }
0x42: {  	_ =	shalt  }
0x43: {  	_ =	shalt  }
0x44: {  	_ =	shalt  }
0x45: {  	_ =	shalt  }
0x46: {  	_ =	shalt  }
0x47: {  	_ =	shalt  }
0x48: {  	_ =	shalt  }
0x49: {  	_ =	shalt  }
0x4a: {  	_ =	shalt  }
0x4b: {  	_ =	shalt  }
0x4c: {  	_ =	shalt  }
0x4d: {  	_ =	shalt  }
0x4e: {  	_ =	shalt  }
0x4f: {  	_ =	shalt  }
0x50: {  	_ =	shalt  }
0x51: {  	_ =	shalt  }
0x52: {  	_ =	shalt  }
0x53: {  	_ =	shalt  }
0x54: {  	_ =	shalt  }
0x55: {  	_ =	shalt  }
0x56: {  	_ =	shalt  }
0x57: {  	_ =	shalt  }
0x58: {  	_ =	shalt  }
0x59: {  	_ =	shalt  }
0x5a: {  	_ =	shalt  }
0x5b: {  	_ =	shalt  }
0x5c: {  	_ =	shalt  }
0x5d: {  	_ =	shalt  }
0x5e: {  	_ =	shalt  }
0x5f: {  	_ =	shalt  }
0x60: {  	_ =	shalt  }
0x61: {  	_ =	shalt  }
0x62: {  	_ =	shalt  }
0x63: {  	_ =	shalt  }
0x64: {  	_ =	shalt  }
0x65: {  	_ =	shalt  }
0x66: {  	_ =	shalt  }
0x67: {  	_ =	shalt  }
0x68: {  	_ =	shalt  }
0x69: {  	_ =	shalt  }
0x6a: {  	_ =	shalt  }
0x6b: {  	_ =	shalt  }
0x6c: {  	_ =	shalt  }
0x6d: {  	_ =	shalt  }
0x6e: {  	_ =	shalt  }
0x6f: {  	_ =	shalt  }
0x70: {  	_ =	shalt  }
0x71: {  	_ =	shalt  }
0x72: {  	_ =	shalt  }
0x73: {  	_ =	shalt  }
0x74: {  	_ =	shalt  }
0x75: {  	_ =	shalt  }
0x76: {  	_ =	shalt  }
0x77: {  	_ =	shalt  }
0x78: {  	_ =	shalt  }
0x79: {  	_ =	shalt  }
0x7a: {  	_ =	shalt  }
0x7b: {  	_ =	shalt  }
0x7c: {  	_ =	shalt  }
0x7d: {  	_ =	shalt  }
0x7e: {  	_ =	shalt  }
0x7f: {  	_ =	shalt  }
0x80: {  	_ =	shalt  }
0x81: {  	_ =	shalt  }
0x82: {  	_ =	shalt  }
0x83: {  	_ =	shalt  }
0x84: {  	_ =	shalt  }
0x85: {  	_ =	shalt  }
0x86: {  	_ =	shalt  }
0x87: {  	_ =	shalt  }
.Lfunc_end0:
.L_simem_size_0:
called_computation.1_lowered:
.L_overlay_start_0:
0x88: {  	s2 =	sld [smem:$0x3FD9]  }
0x89: {  	s3 =	sld [smem:$0x3FFE];
	_ =	sdelay $0x1  }
0x8a: {  	s1 =	srdreg.scid  }
0x8b: {  	s0 =	sand.u32 $0x1, s1  }
0x8c: {  	s17 =	sshll.u32 s0, $0xA;
	s2 =	sadd.s32 s3, s2  }
0x8d: {  	s2 =	sadd.s32 s2, s17  }
0x8e: {  	[smem:$0x3FC1] =	sst s2  }
0x8f: {  	_ = 	snop  }
0x90: {  	s2 =	sld [smem:$0x3FD0];
	(tm) =	ssettm $0x1  }
0x91: {  	s18 =	sld [smem:$0x3FFB];
	_ =	sdelay $0x3  }
0x92: {  	_ =	strace s18  }
0x93: {  	s3 =	sld [smem:$0x3FFC];
	_ =	sdelay $0x3  }
0x94: {  	_ =	strace s3  }
0x95: {  	s3 =	sld [smem:$0x3FFD];
	_ =	sdelay $0x3  }
0x96: {  	_ =	strace s3  }
0x97: {  	_ =	strace $0x8FFFFFFF  }
0x98: {  	s19 =	sld [smem:$0x3FDB];
	_ =	sdelay $0x1  }
0x99: {  	s4 =	simm.s32 $_scs_section_size  }
0x9a: {  	s5 =	simm.s32 $_size__tile_overlayer_lowered;
	s6 =	simm.s32 $_tile_overlayer_lowered  }
0x9b: {  	s22 =	simm.s32 $0x1BFF;
	s21 =	sshll.u32 s6, $0x1;
	s3 =	sadd.s32 s4, s19  }
0x9c: {  	s7 =	simm.s32 $0x0;
	s20 =	sshll.u32 s5, $0x1;
	s5 =	sadd.s32 s21, s3  }
0x9d: {  	[timem:s7], [sflag:s22] =	dma.local [hbm:s5], s20  }
0x9e: {  	_ =	swait.ge [sflag:s22], s20  }
0x9f: {  	s4 =	ssub.s32 $0x0, s20;
	[sflag:s22] =	ssyncset.done $0x0  }
0xa0: {  	[sflag:s22] =	ssyncadd.s32 s4;
	_ =	sdelay $0x1  }
0xa1: {  	s23 =	simm.s32 $0x1B8B  }
0xa2: {  	_ =	swait.ge [sflag:s23], $0x1  }
0xa3: {  	[sflag:s23] =	ssyncset.done $0x0  }
0xa4: {  	s25 =	simm.s32 $0x1B8E;
	s24 =	sld [smem:$0x3FFE];
	[sflag:s23] =	ssyncadd.s32 $0xFFFFFFFF  }
0xa5: {  	s26 =	simm.s32 $execute0_lowered;
	[smem:$0x3FD2] =	sst s25  }
0xa6: {  	s5 =	sshll.u32 s26, $0x1;
	_ =	strace $0x80000049;
	[dreg:$0x1] =	wrdreg $0xFFFFFFFF  }
0xa7: {  	s28 =	simm.s32 $_size_execute0_lowered;
	s3 =	sadd.s32 s3, s5;
	[dreg:$0x0] =	wrdreg $0x0  }
0xa8: {  	s5 =	sshll.u32 s28, $0x1;
	[dreg:$0x2] =	wrdreg s3  }
0xa9: {  	[dreg:$0x3] =	wrdreg s5  }
0xaa: {  	[dreg:$0x4] =	wrdreg $0xC0  }
0xab: {  	_ =	task [dreg:s7], $0x5FFFF  }
0xac: {  	[dreg:$0x1] =	wrdreg $0xFFFFFFFF  }
0xad: {  	[dreg:$0x0] =	wrdreg $0x60  }
0xae: {  	[dreg:$0x2] =	wrdreg s24  }
0xaf: {  	[dreg:$0x3] =	wrdreg s2  }
0xb0: {  	[dreg:$0x4] =	wrdreg $0x9  }
0xb1: {  	_ =	task.clear_ibuf [dreg:s7], $0x5FFFF;
	_ =	strace $0x90000049  }
0xb2: {  	s29 =	simm.s32 $0x9;
	_ =	strace $0x8000004B  }
0xb3: {  	_ =	swait.ge [sflag:s29], $0x1  }
0xb4: {  	[sflag:s29] =	ssyncadd.s32 $0xFFFFFFFF  }
0xb5: {  	_ =	strace $0x9000004B  }
0xb6: {  	_ =	sfence  }
0xb7: {  	s30 =	sld [smem:$0x0];
	_ =	sdelay $0x2  }
0xb8: {  	s31 =	sshll.u32 s1, $0xD;
	s1 =	sshrl.u32 s1, $0x2  }
0xb9: {  	s3 =	sand.u32 $0x4000, s31;
	s1 =	sadd.s32 s1, s30  }
0xba: {  	s0 =	sor.u32 s3, s0;
	s1 =	sshll.u32 s1, $0x11  }
0xbb: {  	s0 =	sor.u32 s1, s0  }
0xbc: {  	s0 =	sadd.s32 $0x8F2B, s0  }
0xbd: {  	[sflag:s0] =	ssyncadd.remote.s32 $0x1  }
0xbe: {  	_ =	sfence.sel $0xFFFF  }
0xbf: {  	[dreg:$0x0] =	wrdreg $0xFFFFFFFF;
	(pc) =	sbr.abs _section_cstart, $3  }
0xc0: {  	[dreg:$0x1] =	wrdreg $0xFFFFFFFF  }
0xc1: {  	_ =	task.clear_ibuf [dreg:s7], $0x2FFFF;
	_ =	strace $0x9FFFFFFF  }
0xc2: {  	(tm) =	ssettm $0x7FFFFFFF  }
0xc3: {  	_ =	shalt  }
tec
execute0_lowered:
.L_overlay_start_1:
0x0: {  	(tag) =	ssettag $0x1  }
0x1: {  	s0 =	rddreg [dreg:$0x0]  }
0x2: {  	s5 =	rddreg [dreg:$0x1];
	s3 =	srdreg.scid  }
0x3: {  	s2 =	simm.s32 $0x0;
	s1 =	stileid.u32;
	s26 =	simm.s32 $0x880  }
0x4: {  	s10 =	simm.s32 $0x1880;
	s11 =	simm.s32 $0x2080;
	s12 =	simm.s32 $0x2880  }
0x5: {  	s13 =	simm.s32 $0x3080;
	s14 =	simm.s32 $0x3880;
	s15 =	simm.s32 $0x4080  }
0x6: {  	s16 =	simm.s32 $0x4880;
	s17 =	simm.s32 $0x5080;
	s18 =	simm.s32 $0x5880  }
0x7: {  	s19 =	simm.s32 $0x6080;
	s20 =	simm.s32 $0x6880;
	s21 =	simm.s32 $0x7080  }
0x8: {  	s22 =	simm.s32 $0x7880;
	s28 =	simm.s32 $0xA080;
	s29 =	simm.s32 $0xA880  }
0x9: {  	s30 =	simm.s32 $0xB080;
	s31 =	simm.s32 $0xB880;
	s3 =	sand.u32 $0x1, s3  }
0xa: {  	[smem:$0x7FF] =	sst s2;
	s4 =	sshll.u32 s1, $0x4;
	s6 =	sshll.u32 s3, $0x3  }
0xb: {  	_ =	strace $0x8000004A;
	s23 =	ssub.s32 $0x2, s3;
	s3 =	sadd.s32 $0x800, s0  }
0xc: {  	[dreg:$0x5] =	wrdreg s26;
	s26 =	simm.s32 $0x9880;
	s4 =	sor.u32 s6, s4  }
0xd: {  	s8 =	sshrl.u32 s23, $0x1;
	s7 =	sadd.s32 s4, s0;
	s9 =	smul.u32 $0x300, s4  }
0xe: {  	s6 =	ssub.s32 s23, s8;
	s4 =	sadd.s32 $0x900, s0;
	s8 =	simm.s32 $0x80  }
0xf: {  	s23 =	simm.s32 $0x8080;
	s24 =	sadd.s32 $0x600, s7;
	s6 =	smax.u32 s6, $0x1  }
0x10: {  	v2 =	vlaneseq.u32;
	s7 =	simm.s32 $0x2;
	[dreg:$0x3] =	wrdreg s24;
	s25 =	sadd.s32 s5, s9  }
0x11: {  	vm0 =	vmmov $0xffff;
	v1 =	vshrl.u32 v2, $0x3;
	s5 =	sadd.s32 $0xA00, s0;
	s9 =	simm.s32 $0x1080;
	s24 =	simm.s32 $0x8880  }
0x12: {  	v0 =	vand.u32 $0x7, v2;
	v2 =	vor.u32 $0x8, v2;
	v1 =	vmul.u32 $0x8, v1;
	s0 =	simm.s32 $0x1;
	[dreg:$0x4] =	wrdreg s25;
	s25 =	simm.s32 $0x9080  }
.LBB2_1:
0x13: {  	s1 =	rddreg [dreg:$0x3]  }
0x14: {  	[tilespmem:s2], [sflag:$0x2] =	stream.linear.gather [hbm4b:s1+s2], $0x40, $0x38;
	[tilespmem:$0xC080] =	vst v63  }
0x15: {  	_ =	swait.ge [sflag:s7], $0x40  }
0x16: {  	[sflag:s7] =	ssyncset.done $0x0  }
0x17: {  	[sflag:s7] =	ssyncadd.s32 $0xFFFFFFC0  }
0x18: {  	v3 =	vld [tilespmem:$0x0];
	_ =	sdelay $0x4  }
0x19: {  	v4 =	vshrl.u32 v3, $0x3  }
0x1a: {  	v4 =	vmul.u32 $0x30, v4  }
0x1b: {  	v3 =	vand.u32 $0x7, v3  }
0x1c: {  	v3 =	vor.u32 v3, v4  }
0x1d: {  	v4 =	vperm.xlane v3, v0;
	_ =	sdelay $0x1  }
0x1e: {  	v4 =	vadd.s32 v1, v4;
	_ =	sdelay $0x3  }
0x1f: {  	v3 =	vperm.xlane v3, v2  }
0x20: {  	[tilespmem:s8], [sflag:$0x1] =	stream.indirect_vreg.gather [hbm4b:s3+s2], $0x80, v4, vm0, $0xb8;
	[tilespmem:$0xC080] =	vst v63  }
0x21: {  	s1 =	rddreg [dreg:$0x5];
	v3 =	vadd.s32 v1, v3  }
0x22: {  	[tilespmem:s1], [sflag:$0x1] =	stream.indirect_vreg.gather [hbm4b:s4+s2], $0x80, v4, vm0, $0xb8;
	[tilespmem:$0xC080] =	vst v63  }
0x23: {  	_ = 	snop  }
0x24: {  	[tilespmem:s9], [sflag:$0x1] =	stream.indirect_vreg.gather [hbm4b:s5+s2], $0x80, v4, vm0, $0xb8;
	[tilespmem:$0xC080] =	vst v63  }
0x25: {  	_ = 	snop  }
0x26: {  	[tilespmem:s10], [sflag:$0x1] =	stream.indirect_vreg.gather [hbm4b:s3+s2], $0x80, v3, vm0, $0xb8;
	[tilespmem:$0xC080] =	vst v63  }
0x27: {  	_ = 	snop  }
0x28: {  	[tilespmem:s11], [sflag:$0x1] =	stream.indirect_vreg.gather [hbm4b:s4+s2], $0x80, v3, vm0, $0xb8;
	[tilespmem:$0xC080] =	vst v63  }
0x29: {  	_ = 	snop  }
0x2a: {  	[tilespmem:s12], [sflag:$0x1] =	stream.indirect_vreg.gather [hbm4b:s5+s2], $0x80, v3, vm0, $0xb8;
	[tilespmem:$0xC080] =	vst v63  }
0x2b: {  	v3 =	vld [tilespmem:$0x10];
	_ =	sdelay $0x4  }
0x2c: {  	v61 =	vshrl.u32 v3, $0x3  }
0x2d: {  	v4 =	vmul.u32 $0x30, v61  }
0x2e: {  	v3 =	vand.u32 $0x7, v3  }
0x2f: {  	v3 =	vor.u32 v3, v4  }
0x30: {  	v4 =	vperm.xlane v3, v0;
	_ =	sdelay $0x1  }
0x31: {  	v4 =	vadd.s32 v1, v4;
	_ =	sdelay $0x3  }
0x32: {  	v3 =	vperm.xlane v3, v2  }
0x33: {  	[tilespmem:s13], [sflag:$0x1] =	stream.indirect_vreg.gather [hbm4b:s3+s2], $0x80, v4, vm0, $0xb8;
	[tilespmem:$0xC080] =	vst v63  }
0x34: {  	v3 =	vadd.s32 v1, v3  }
0x35: {  	[tilespmem:s14], [sflag:$0x1] =	stream.indirect_vreg.gather [hbm4b:s4+s2], $0x80, v4, vm0, $0xb8;
	[tilespmem:$0xC080] =	vst v63  }
0x36: {  	_ = 	snop  }
0x37: {  	[tilespmem:s15], [sflag:$0x1] =	stream.indirect_vreg.gather [hbm4b:s5+s2], $0x80, v4, vm0, $0xb8;
	[tilespmem:$0xC080] =	vst v63  }
0x38: {  	_ = 	snop  }
0x39: {  	[tilespmem:s16], [sflag:$0x1] =	stream.indirect_vreg.gather [hbm4b:s3+s2], $0x80, v3, vm0, $0xb8;
	[tilespmem:$0xC080] =	vst v63  }
0x3a: {  	_ = 	snop  }
0x3b: {  	[tilespmem:s17], [sflag:$0x1] =	stream.indirect_vreg.gather [hbm4b:s4+s2], $0x80, v3, vm0, $0xb8;
	[tilespmem:$0xC080] =	vst v63  }
0x3c: {  	_ = 	snop  }
0x3d: {  	[tilespmem:s18], [sflag:$0x1] =	stream.indirect_vreg.gather [hbm4b:s5+s2], $0x80, v3, vm0, $0xb8;
	[tilespmem:$0xC080] =	vst v63  }
0x3e: {  	v3 =	vld [tilespmem:$0x20];
	_ =	sdelay $0x4  }
0x3f: {  	v62 =	vshrl.u32 v3, $0x3  }
0x40: {  	v4 =	vmul.u32 $0x30, v62  }
0x41: {  	v3 =	vand.u32 $0x7, v3  }
0x42: {  	v3 =	vor.u32 v3, v4  }
0x43: {  	v4 =	vperm.xlane v3, v0;
	_ =	sdelay $0x1  }
0x44: {  	v4 =	vadd.s32 v1, v4;
	_ =	sdelay $0x3  }
0x45: {  	v3 =	vperm.xlane v3, v2  }
0x46: {  	[tilespmem:s19], [sflag:$0x1] =	stream.indirect_vreg.gather [hbm4b:s3+s2], $0x80, v4, vm0, $0xb8;
	[tilespmem:$0xC080] =	vst v63  }
0x47: {  	v3 =	vadd.s32 v1, v3  }
0x48: {  	[tilespmem:s20], [sflag:$0x1] =	stream.indirect_vreg.gather [hbm4b:s4+s2], $0x80, v4, vm0, $0xb8;
	[tilespmem:$0xC080] =	vst v63  }
0x49: {  	_ = 	snop  }
0x4a: {  	[tilespmem:s21], [sflag:$0x1] =	stream.indirect_vreg.gather [hbm4b:s5+s2], $0x80, v4, vm0, $0xb8;
	[tilespmem:$0xC080] =	vst v63  }
0x4b: {  	_ = 	snop  }
0x4c: {  	[tilespmem:s22], [sflag:$0x1] =	stream.indirect_vreg.gather [hbm4b:s3+s2], $0x80, v3, vm0, $0xb8;
	[tilespmem:$0xC080] =	vst v63  }
0x4d: {  	_ = 	snop  }
0x4e: {  	[tilespmem:s23], [sflag:$0x1] =	stream.indirect_vreg.gather [hbm4b:s4+s2], $0x80, v3, vm0, $0xb8;
	[tilespmem:$0xC080] =	vst v63  }
0x4f: {  	_ = 	snop  }
0x50: {  	[tilespmem:s24], [sflag:$0x1] =	stream.indirect_vreg.gather [hbm4b:s5+s2], $0x80, v3, vm0, $0xb8;
	[tilespmem:$0xC080] =	vst v63  }
0x51: {  	v3 =	vld [tilespmem:$0x30];
	_ =	sdelay $0x4  }
0x52: {  	v63 =	vshrl.u32 v3, $0x3  }
0x53: {  	v4 =	vmul.u32 $0x30, v63  }
0x54: {  	v3 =	vand.u32 $0x7, v3  }
0x55: {  	v3 =	vor.u32 v3, v4  }
0x56: {  	v4 =	vperm.xlane v3, v0;
	_ =	sdelay $0x1  }
0x57: {  	v4 =	vadd.s32 v1, v4;
	_ =	sdelay $0x3  }
0x58: {  	v3 =	vperm.xlane v3, v2  }
0x59: {  	[tilespmem:s25], [sflag:$0x1] =	stream.indirect_vreg.gather [hbm4b:s3+s2], $0x80, v4, vm0, $0xb8;
	[tilespmem:$0xC080] =	vst v63  }
0x5a: {  	v3 =	vadd.s32 v1, v3  }
0x5b: {  	[tilespmem:s26], [sflag:$0x1] =	stream.indirect_vreg.gather [hbm4b:s4+s2], $0x80, v4, vm0, $0xb8;
	[tilespmem:$0xC080] =	vst v63  }
0x5c: {  	_ = 	snop  }
0x5d: {  	[tilespmem:s28], [sflag:$0x1] =	stream.indirect_vreg.gather [hbm4b:s5+s2], $0x80, v4, vm0, $0xb8;
	[tilespmem:$0xC080] =	vst v63  }
0x5e: {  	_ = 	snop  }
0x5f: {  	[tilespmem:s29], [sflag:$0x1] =	stream.indirect_vreg.gather [hbm4b:s3+s2], $0x80, v3, vm0, $0xb8;
	[tilespmem:$0xC080] =	vst v63  }
0x60: {  	_ = 	snop  }
0x61: {  	[tilespmem:s30], [sflag:$0x1] =	stream.indirect_vreg.gather [hbm4b:s4+s2], $0x80, v3, vm0, $0xb8;
	[tilespmem:$0xC080] =	vst v63  }
0x62: {  	_ = 	snop  }
0x63: {  	[tilespmem:s31], [sflag:$0x1] =	stream.indirect_vreg.gather [hbm4b:s5+s2], $0x80, v3, vm0, $0xb8;
	[tilespmem:$0xC080] =	vst v63  }
0x64: {  	_ =	swait.ge [sflag:s0], $0xC000  }
0x65: {  	p0 =	sne.s32 s6, $0x1;
	[sflag:s0] =	ssyncset.done $0x0  }
.Ltmp0:
0x66: {  	s1 =	rddreg [dreg:$0x4];
	[sflag:s0] =	ssyncadd.s32 $0xFFFF4000;
	(pc) =	sbr.rel @p0 .LBB2_1-.Ltmp0, $4  }
0x67: {  	[hbm4b:s1+s2] =	stream.linear.scatter [tilespmem:s8], [sflag:$0x2], $0xC000, $0x38;
	[tilespmem:$0xC080] =	vst v63  }
0x68: {  	_ =	swait.ge [sflag:s7], $0xC000  }
0x69: {  	[sflag:s7] =	ssyncset.done $0x0  }
0x6a: {  	s6 =	sadd.s32 $0xFFFFFFFF, s6;
	[sflag:s7] =	ssyncadd.s32 $0xFFFF4000  }
0x6b: {  	_ =	sfence.sel $0x180000  }
0x6c: {  	[bflag:$0x0] =	sbarrier.arrive $0xFFFF  }
0x6d: {  	_ =	strace $0x9000004A  }
0x6e: {  	s0 =	stileid.u32;
	[bflag:$0x2] =	sbarrier.arrive $0xFFFF  }
0x6f: {  	p0 =	sne.s32 s0, $0x0;
	s0 =	rddreg [dreg:$0x2]  }
0x70: {  	s0 =	sadd.s32 @!p0 $0x100000, s0  }
0x71: {  	[sflag:s0] =	ssyncadd.tile.s32 @!p0 $0x1;
	_ =	shalt  }
.Lfunc_end2:
_tile_overlayer_lowered:
.L_overlay_start_2:
0x72: {  	(tag) =	ssettag $0x2  }
0x73: {  	s0 =	rddreg [dreg:$0x0];
	s2 =	stileid.u32  }
0x74: {  	s1 =	rddreg [dreg:$0x1];
	p0 =	sne.s32 s2, $0x0  }
0x75: {  	s3 =	rddreg [dreg:$0x2];
	[bflag:$0x3] =	sbarrier.arrive $0xFFFF;
	s2 =	simm.s32 @!p0 $0x1C02  }
0x76: {  	[timem:s3], [sflag:s2] =	dma.local @!p0 [hbm:s0], s1  }
0x77: {  	s0 =	simm.s32 @!p0 $0x2  }
0x78: {  	_ =	swait.ge @!p0 [sflag:s0], s1  }
0x79: {  	s1 =	ssub.s32 @!p0 $0x0, s1;
	[sflag:s0] =	ssyncset.done @!p0 $0x0  }
0x7a: {  	[sflag:s0] =	ssyncadd.s32 @!p0 s1  }
0x7b: {  	[bflag:$0x3] =	sbarrier.arrive $0xFFFF  }
0x7c: {  	_ =	shalt  }

</sc_bundles>
